<compile_context>
chip_gen: v7x
topology: tpu7x:2x2x1
jax: 0.10.2.dev20260603
libtpu: 0.0.44.dev20260713+nightly
codegen_flags: <defaults>
</compile_context>

<pallas_src>
import functools
import math

import jax
import jax.numpy as jnp
from jax import lax
from jax.experimental import pallas as pl
from jax.experimental.pallas import tpu as pltpu
from jax.experimental.pallas import tpu_sc as plsc

D_MODEL = 64
SCALE = math.sqrt(D_MODEL)

NC = 2
NS = 16
NW = NC * NS
GMAX = 128
NBUF = 4


def _emb_body(x_hbm, lut_hbm, out_hbm, idx_v,
              gb0, gb1, gb2, gb3, sb0, sb1, sb2, sb3,
              gs0, gs1, gs2, gs3, ss0, ss1, ss2, ss3):
    gbufs = (gb0, gb1, gb2, gb3)
    sbufs = (sb0, sb1, sb2, sb3)
    gsems = (gs0, gs1, gs2, gs3)
    ssems = (ss0, ss1, ss2, ss3)

    rows_w, n_seq = idx_v.shape
    rem = n_seq - GMAX
    wid = lax.axis_index("s") * NC + lax.axis_index("c")
    row0 = wid * rows_w

    pltpu.sync_copy(x_hbm.at[pl.ds(row0, rows_w)], idx_v)

    def issue_gather(j, b):
        pltpu.async_copy(
            lut_hbm.at[idx_v.at[j, pl.ds(0, GMAX)]],
            gbufs[b].at[pl.ds(0, GMAX)], gsems[b])
        pltpu.async_copy(
            lut_hbm.at[idx_v.at[j, pl.ds(GMAX, rem)]],
            gbufs[b].at[pl.ds(GMAX, rem)], gsems[b])

    def wait_gather(j, b):
        pltpu.make_async_copy(
            lut_hbm.at[idx_v.at[j, pl.ds(0, GMAX)]],
            gbufs[b].at[pl.ds(0, GMAX)], gsems[b]).wait()
        pltpu.make_async_copy(
            lut_hbm.at[idx_v.at[j, pl.ds(GMAX, rem)]],
            gbufs[b].at[pl.ds(GMAX, rem)], gsems[b]).wait()

    for b in range(NBUF):
        issue_gather(b, b)

    def outer_body(outer, carry):
        for b in range(NBUF):
            j = outer * NBUF + b
            wait_gather(j, b)

            @pl.when(outer > 0)
            def _drain(b=b, j=j):
                pltpu.make_async_copy(
                    sbufs[b],
                    out_hbm.at[
                        pl.ds((n_seq // 2) * (row0 + j - NBUF), n_seq // 2)],
                    ssems[b]).wait()

            def sc_t(t, gb=gbufs[b], sb=sbufs[b]):
                tt = t // 2
                base = 64 * (t % 2)
                for q in range(4):
                    sb[tt, pl.ds(base + 16 * q, 16)] = (
                        gb[t, pl.ds(16 * q, 16)] * SCALE)

            plsc.parallel_loop(0, n_seq, unroll=4)(sc_t)

            @pl.when(j + NBUF < rows_w)
            def _issue(b=b, j=j):
                issue_gather(j + NBUF, b)

            pltpu.async_copy(
                sbufs[b],
                out_hbm.at[pl.ds((n_seq // 2) * (row0 + j), n_seq // 2)],
                ssems[b])
        return carry

    lax.fori_loop(0, rows_w // NBUF, outer_body, 0)

    for b in range(NBUF):
        j = rows_w - NBUF + b
        pltpu.make_async_copy(
            sbufs[b],
            out_hbm.at[pl.ds((n_seq // 2) * (row0 + j), n_seq // 2)],
            ssems[b]).wait()


@jax.jit
def _emb_call(x, lut):
    nb, ns = x.shape
    mesh = plsc.VectorSubcoreMesh(core_axis_name="c", subcore_axis_name="s")
    fn = functools.partial(
        pl.kernel,
        out_type=jax.ShapeDtypeStruct(
            (nb * ns * D_MODEL // 128, 128), jnp.float32),
        mesh=mesh,
        scratch_types=(
            [pltpu.VMEM((nb // NW, ns), jnp.int32)]
            + [pltpu.VMEM((ns, D_MODEL), jnp.float32)] * NBUF
            + [pltpu.VMEM((ns // 2, 128), jnp.float32)] * NBUF
            + [pltpu.SemaphoreType.DMA] * (2 * NBUF)
        ),
        compiler_params=pltpu.CompilerParams(
            use_tc_tiling_on_sc=False, needs_layout_passes=False),
    )(_emb_body)
    return fn(x, lut)


def kernel(x, lut):
    nb, ns = x.shape
    out = _emb_call(x.astype(jnp.int32), lut)
    return out.reshape(nb, ns, D_MODEL)

# --- scband reference (transcript-rebuilt; emitter-appended) ---
"""Pipeline reference for scband-embeddings-5214090297826 (READ-ONLY COPY).

The authoritative reference and input builder live on the scoring server;
editing this copy changes nothing except your own understanding.
"""

import jax, jax.numpy as jnp
import numpy as np
import math

D_MODEL = 64
VOCAB = 1000000

def setup_inputs(seed: int = 0) -> dict:
    key = jax.random.key(seed)
    k1, k2 = jax.random.split(key)
    x = jax.random.randint(k1, (4096, 200), 0, VOCAB, dtype=jnp.int64) if jax.config.jax_enable_x64 else jax.random.randint(k1, (4096, 200), 0, VOCAB, dtype=jnp.int32)
    lut = jax.random.normal(k2, (VOCAB, D_MODEL), dtype=jnp.float32)
    return {"x": x, "lut": lut}

def reference(x, lut):
    # Embeddings.forward: self.lut(x) * sqrt(d_model)
    emb = jnp.take(lut, x, axis=0)
    return emb * math.sqrt(D_MODEL)

if __name__ == "__main__":
    import jax
    _d = setup_inputs()
    print(jax.jit(kernel)(*tuple(_d.values())))

</pallas_src>

<mosaic_0001>
#map = affine_map<(d0, d1) -> (0, 0)>
module attributes {stable_mosaic.version = 14 : i64} {
  func.func @_emb_body(%arg0: i32, %arg1: i32, %arg2: memref<4096x200xi32, #tpu.memory_space<hbm>>, %arg3: memref<1000000x64xf32, #tpu.memory_space<hbm>>, %arg4: memref<409600x128xf32, #tpu.memory_space<hbm>>, %arg5: memref<128x200xi32, #tpu.memory_space<vmem>>, %arg6: memref<200x64xf32, #tpu.memory_space<vmem>>, %arg7: memref<200x64xf32, #tpu.memory_space<vmem>>, %arg8: memref<200x64xf32, #tpu.memory_space<vmem>>, %arg9: memref<200x64xf32, #tpu.memory_space<vmem>>, %arg10: memref<100x128xf32, #tpu.memory_space<vmem>>, %arg11: memref<100x128xf32, #tpu.memory_space<vmem>>, %arg12: memref<100x128xf32, #tpu.memory_space<vmem>>, %arg13: memref<100x128xf32, #tpu.memory_space<vmem>>, %arg14: memref<!tpu.dma_semaphore, #tpu.memory_space<semaphore_mem>>, %arg15: memref<!tpu.dma_semaphore, #tpu.memory_space<semaphore_mem>>, %arg16: memref<!tpu.dma_semaphore, #tpu.memory_space<semaphore_mem>>, %arg17: memref<!tpu.dma_semaphore, #tpu.memory_space<semaphore_mem>>, %arg18: memref<!tpu.dma_semaphore, #tpu.memory_space<semaphore_mem>>, %arg19: memref<!tpu.dma_semaphore, #tpu.memory_space<semaphore_mem>>, %arg20: memref<!tpu.dma_semaphore, #tpu.memory_space<semaphore_mem>>, %arg21: memref<!tpu.dma_semaphore, #tpu.memory_space<semaphore_mem>>) attributes {dimension_semantics = [#tpu.dimension_semantics<core_parallel>, #tpu.dimension_semantics<subcore_parallel>], iteration_bounds = array<i64: 2, 16>, scalar_prefetch = 0 : i64, scratch_operands = 17 : i64, tpu.core_type = #tpu.core_type<sc_vector_subcore>, window_params = [{transform_indices = #map}, {transform_indices = #map}, {transform_indices = #map}]} {
    %mul3A = arith.constant 2 : i32
    %mul3A_0 = arith.muli %arg1, %mul3A : i32
    %add3A = arith.addi %mul3A_0, %arg0 : i32
    %mul3A_1 = arith.constant 128 : i32
    %mul3A_2 = arith.muli %add3A, %mul3A_1 : i32
    "tpu.region"() ({
      %run_scoped3A = tpu.sem_alloc : memref<!tpu.dma_semaphore, #tpu.memory_space<semaphore_mem>>
      %dma_start3A_118 = arith.constant 0 : i32
      %dma_start3A_119 = tpu.memref_slice %arg2[%mul3A_2, %dma_start3A_118] : memref<4096x200xi32, #tpu.memory_space<hbm>> -> memref<128x200xi32, #tpu.memory_space<hbm>>
      %dma_start3A_120 = arith.constant 0 : i32
      %dma_start3A_121 = tpu.memref_slice %arg2[%mul3A_2, %dma_start3A_120] : memref<4096x200xi32, #tpu.memory_space<hbm>> -> memref<128x200xi32, #tpu.memory_space<hbm>>
      tpu.enqueue_dma source(%dma_start3A_121 : memref<128x200xi32, #tpu.memory_space<hbm>>) target(%arg5 : memref<128x200xi32, #tpu.memory_space<vmem>>) target_semaphore(%run_scoped3A : memref<!tpu.dma_semaphore, #tpu.memory_space<semaphore_mem>>)
      %dma_wait3A_122 = arith.constant 0 : i32
      %dma_wait3A_123 = tpu.memref_slice %arg2[%mul3A_2, %dma_wait3A_122] : memref<4096x200xi32, #tpu.memory_space<hbm>> -> memref<128x200xi32, #tpu.memory_space<hbm>>
      %dma_wait3A_124 = arith.constant 0 : i32
      %dma_wait3A_125 = tpu.memref_slice %arg2[%mul3A_2, %dma_wait3A_124] : memref<4096x200xi32, #tpu.memory_space<hbm>> -> memref<128x200xi32, #tpu.memory_space<hbm>>
      tpu.wait_dma2 semaphore(%run_scoped3A : memref<!tpu.dma_semaphore, #tpu.memory_space<semaphore_mem>>) src(%dma_wait3A_125 : memref<128x200xi32, #tpu.memory_space<hbm>>) dst(%arg5 : memref<128x200xi32, #tpu.memory_space<vmem>>)
      tpu.yield
    }) : () -> ()
    %dma_start3A = arith.constant 0 : i32
    %dma_start3A_3 = arith.constant 0 : i32
    %dma_start3A_4 = arith.constant 0 : i32
    %dma_start3A_5 = tpu.memref_slice %arg6[%dma_start3A_3, %dma_start3A_4] : memref<200x64xf32, #tpu.memory_space<vmem>> -> memref<128x64xf32, #tpu.memory_space<vmem>>
    %dma_start3A_6 = arith.constant 0 : i32
    %dma_start3A_7 = tpu.memref_slice %arg5[%dma_start3A, %dma_start3A_6] : memref<128x200xi32, #tpu.memory_space<vmem>> -> memref<1x128xi32, #tpu.memory_space<vmem>>
    %dma_start3A_8 = tpu.memref_squeeze %dma_start3A_7 : memref<1x128xi32, #tpu.memory_space<vmem>> -> memref<128xi32, #tpu.memory_space<vmem>>
    %dma_start3A_9 = arith.constant 0 : i32
    %dma_start3A_10 = arith.constant 0 : i32
    %dma_start3A_11 = tpu.memref_slice %arg3[%dma_start3A_9, %dma_start3A_10] : memref<1000000x64xf32, #tpu.memory_space<hbm>> -> memref<1000000x64xf32, #tpu.memory_space<hbm>>
    tpu.enqueue_indirect_dma source(%dma_start3A_11 : memref<1000000x64xf32, #tpu.memory_space<hbm>>) target(%dma_start3A_5 : memref<128x64xf32, #tpu.memory_space<vmem>>) offsets(%dma_start3A_8 : memref<128xi32, #tpu.memory_space<vmem>>) semaphore(%arg14 : memref<!tpu.dma_semaphore, #tpu.memory_space<semaphore_mem>>)
    %dma_start3A_12 = arith.constant 0 : i32
    %dma_start3A_13 = arith.constant 128 : i32
    %dma_start3A_14 = arith.constant 0 : i32
    %dma_start3A_15 = tpu.memref_slice %arg6[%dma_start3A_13, %dma_start3A_14] : memref<200x64xf32, #tpu.memory_space<vmem>> -> memref<72x64xf32, #tpu.memory_space<vmem>>
    %dma_start3A_16 = arith.constant 128 : i32
    %dma_start3A_17 = tpu.memref_slice %arg5[%dma_start3A_12, %dma_start3A_16] : memref<128x200xi32, #tpu.memory_space<vmem>> -> memref<1x72xi32, #tpu.memory_space<vmem>>
    %dma_start3A_18 = tpu.memref_squeeze %dma_start3A_17 : memref<1x72xi32, #tpu.memory_space<vmem>> -> memref<72xi32, #tpu.memory_space<vmem>>
    %dma_start3A_19 = arith.constant 0 : i32
    %dma_start3A_20 = arith.constant 0 : i32
    %dma_start3A_21 = tpu.memref_slice %arg3[%dma_start3A_19, %dma_start3A_20] : memref<1000000x64xf32, #tpu.memory_space<hbm>> -> memref<1000000x64xf32, #tpu.memory_space<hbm>>
    tpu.enqueue_indirect_dma source(%dma_start3A_21 : memref<1000000x64xf32, #tpu.memory_space<hbm>>) target(%dma_start3A_15 : memref<72x64xf32, #tpu.memory_space<vmem>>) offsets(%dma_start3A_18 : memref<72xi32, #tpu.memory_space<vmem>>) semaphore(%arg14 : memref<!tpu.dma_semaphore, #tpu.memory_space<semaphore_mem>>)
    %dma_start3A_22 = arith.constant 1 : i32
    %dma_start3A_23 = arith.constant 0 : i32
    %dma_start3A_24 = arith.constant 0 : i32
    %dma_start3A_25 = tpu.memref_slice %arg7[%dma_start3A_23, %dma_start3A_24] : memref<200x64xf32, #tpu.memory_space<vmem>> -> memref<128x64xf32, #tpu.memory_space<vmem>>
    %dma_start3A_26 = arith.constant 0 : i32
    %dma_start3A_27 = tpu.memref_slice %arg5[%dma_start3A_22, %dma_start3A_26] : memref<128x200xi32, #tpu.memory_space<vmem>> -> memref<1x128xi32, #tpu.memory_space<vmem>>
    %dma_start3A_28 = tpu.memref_squeeze %dma_start3A_27 : memref<1x128xi32, #tpu.memory_space<vmem>> -> memref<128xi32, #tpu.memory_space<vmem>>
    %dma_start3A_29 = arith.constant 0 : i32
    %dma_start3A_30 = arith.constant 0 : i32
    %dma_start3A_31 = tpu.memref_slice %arg3[%dma_start3A_29, %dma_start3A_30] : memref<1000000x64xf32, #tpu.memory_space<hbm>> -> memref<1000000x64xf32, #tpu.memory_space<hbm>>
    tpu.enqueue_indirect_dma source(%dma_start3A_31 : memref<1000000x64xf32, #tpu.memory_space<hbm>>) target(%dma_start3A_25 : memref<128x64xf32, #tpu.memory_space<vmem>>) offsets(%dma_start3A_28 : memref<128xi32, #tpu.memory_space<vmem>>) semaphore(%arg15 : memref<!tpu.dma_semaphore, #tpu.memory_space<semaphore_mem>>)
    %dma_start3A_32 = arith.constant 1 : i32
    %dma_start3A_33 = arith.constant 128 : i32
    %dma_start3A_34 = arith.constant 0 : i32
    %dma_start3A_35 = tpu.memref_slice %arg7[%dma_start3A_33, %dma_start3A_34] : memref<200x64xf32, #tpu.memory_space<vmem>> -> memref<72x64xf32, #tpu.memory_space<vmem>>
    %dma_start3A_36 = arith.constant 128 : i32
    %dma_start3A_37 = tpu.memref_slice %arg5[%dma_start3A_32, %dma_start3A_36] : memref<128x200xi32, #tpu.memory_space<vmem>> -> memref<1x72xi32, #tpu.memory_space<vmem>>
    %dma_start3A_38 = tpu.memref_squeeze %dma_start3A_37 : memref<1x72xi32, #tpu.memory_space<vmem>> -> memref<72xi32, #tpu.memory_space<vmem>>
    %dma_start3A_39 = arith.constant 0 : i32
    %dma_start3A_40 = arith.constant 0 : i32
    %dma_start3A_41 = tpu.memref_slice %arg3[%dma_start3A_39, %dma_start3A_40] : memref<1000000x64xf32, #tpu.memory_space<hbm>> -> memref<1000000x64xf32, #tpu.memory_space<hbm>>
    tpu.enqueue_indirect_dma source(%dma_start3A_41 : memref<1000000x64xf32, #tpu.memory_space<hbm>>) target(%dma_start3A_35 : memref<72x64xf32, #tpu.memory_space<vmem>>) offsets(%dma_start3A_38 : memref<72xi32, #tpu.memory_space<vmem>>) semaphore(%arg15 : memref<!tpu.dma_semaphore, #tpu.memory_space<semaphore_mem>>)
    %dma_start3A_42 = arith.constant 2 : i32
    %dma_start3A_43 = arith.constant 0 : i32
    %dma_start3A_44 = arith.constant 0 : i32
    %dma_start3A_45 = tpu.memref_slice %arg8[%dma_start3A_43, %dma_start3A_44] : memref<200x64xf32, #tpu.memory_space<vmem>> -> memref<128x64xf32, #tpu.memory_space<vmem>>
    %dma_start3A_46 = arith.constant 0 : i32
    %dma_start3A_47 = tpu.memref_slice %arg5[%dma_start3A_42, %dma_start3A_46] : memref<128x200xi32, #tpu.memory_space<vmem>> -> memref<1x128xi32, #tpu.memory_space<vmem>>
    %dma_start3A_48 = tpu.memref_squeeze %dma_start3A_47 : memref<1x128xi32, #tpu.memory_space<vmem>> -> memref<128xi32, #tpu.memory_space<vmem>>
    %dma_start3A_49 = arith.constant 0 : i32
    %dma_start3A_50 = arith.constant 0 : i32
    %dma_start3A_51 = tpu.memref_slice %arg3[%dma_start3A_49, %dma_start3A_50] : memref<1000000x64xf32, #tpu.memory_space<hbm>> -> memref<1000000x64xf32, #tpu.memory_space<hbm>>
    tpu.enqueue_indirect_dma source(%dma_start3A_51 : memref<1000000x64xf32, #tpu.memory_space<hbm>>) target(%dma_start3A_45 : memref<128x64xf32, #tpu.memory_space<vmem>>) offsets(%dma_start3A_48 : memref<128xi32, #tpu.memory_space<vmem>>) semaphore(%arg16 : memref<!tpu.dma_semaphore, #tpu.memory_space<semaphore_mem>>)
    %dma_start3A_52 = arith.constant 2 : i32
    %dma_start3A_53 = arith.constant 128 : i32
    %dma_start3A_54 = arith.constant 0 : i32
    %dma_start3A_55 = tpu.memref_slice %arg8[%dma_start3A_53, %dma_start3A_54] : memref<200x64xf32, #tpu.memory_space<vmem>> -> memref<72x64xf32, #tpu.memory_space<vmem>>
    %dma_start3A_56 = arith.constant 128 : i32
    %dma_start3A_57 = tpu.memref_slice %arg5[%dma_start3A_52, %dma_start3A_56] : memref<128x200xi32, #tpu.memory_space<vmem>> -> memref<1x72xi32, #tpu.memory_space<vmem>>
    %dma_start3A_58 = tpu.memref_squeeze %dma_start3A_57 : memref<1x72xi32, #tpu.memory_space<vmem>> -> memref<72xi32, #tpu.memory_space<vmem>>
    %dma_start3A_59 = arith.constant 0 : i32
    %dma_start3A_60 = arith.constant 0 : i32
    %dma_start3A_61 = tpu.memref_slice %arg3[%dma_start3A_59, %dma_start3A_60] : memref<1000000x64xf32, #tpu.memory_space<hbm>> -> memref<1000000x64xf32, #tpu.memory_space<hbm>>
    tpu.enqueue_indirect_dma source(%dma_start3A_61 : memref<1000000x64xf32, #tpu.memory_space<hbm>>) target(%dma_start3A_55 : memref<72x64xf32, #tpu.memory_space<vmem>>) offsets(%dma_start3A_58 : memref<72xi32, #tpu.memory_space<vmem>>) semaphore(%arg16 : memref<!tpu.dma_semaphore, #tpu.memory_space<semaphore_mem>>)
    %dma_start3A_62 = arith.constant 3 : i32
    %dma_start3A_63 = arith.constant 0 : i32
    %dma_start3A_64 = arith.constant 0 : i32
    %dma_start3A_65 = tpu.memref_slice %arg9[%dma_start3A_63, %dma_start3A_64] : memref<200x64xf32, #tpu.memory_space<vmem>> -> memref<128x64xf32, #tpu.memory_space<vmem>>
    %dma_start3A_66 = arith.constant 0 : i32
    %dma_start3A_67 = tpu.memref_slice %arg5[%dma_start3A_62, %dma_start3A_66] : memref<128x200xi32, #tpu.memory_space<vmem>> -> memref<1x128xi32, #tpu.memory_space<vmem>>
    %dma_start3A_68 = tpu.memref_squeeze %dma_start3A_67 : memref<1x128xi32, #tpu.memory_space<vmem>> -> memref<128xi32, #tpu.memory_space<vmem>>
    %dma_start3A_69 = arith.constant 0 : i32
    %dma_start3A_70 = arith.constant 0 : i32
    %dma_start3A_71 = tpu.memref_slice %arg3[%dma_start3A_69, %dma_start3A_70] : memref<1000000x64xf32, #tpu.memory_space<hbm>> -> memref<1000000x64xf32, #tpu.memory_space<hbm>>
    tpu.enqueue_indirect_dma source(%dma_start3A_71 : memref<1000000x64xf32, #tpu.memory_space<hbm>>) target(%dma_start3A_65 : memref<128x64xf32, #tpu.memory_space<vmem>>) offsets(%dma_start3A_68 : memref<128xi32, #tpu.memory_space<vmem>>) semaphore(%arg17 : memref<!tpu.dma_semaphore, #tpu.memory_space<semaphore_mem>>)
    %dma_start3A_72 = arith.constant 3 : i32
    %dma_start3A_73 = arith.constant 128 : i32
    %dma_start3A_74 = arith.constant 0 : i32
    %dma_start3A_75 = tpu.memref_slice %arg9[%dma_start3A_73, %dma_start3A_74] : memref<200x64xf32, #tpu.memory_space<vmem>> -> memref<72x64xf32, #tpu.memory_space<vmem>>
    %dma_start3A_76 = arith.constant 128 : i32
    %dma_start3A_77 = tpu.memref_slice %arg5[%dma_start3A_72, %dma_start3A_76] : memref<128x200xi32, #tpu.memory_space<vmem>> -> memref<1x72xi32, #tpu.memory_space<vmem>>
    %dma_start3A_78 = tpu.memref_squeeze %dma_start3A_77 : memref<1x72xi32, #tpu.memory_space<vmem>> -> memref<72xi32, #tpu.memory_space<vmem>>
    %dma_start3A_79 = arith.constant 0 : i32
    %dma_start3A_80 = arith.constant 0 : i32
    %dma_start3A_81 = tpu.memref_slice %arg3[%dma_start3A_79, %dma_start3A_80] : memref<1000000x64xf32, #tpu.memory_space<hbm>> -> memref<1000000x64xf32, #tpu.memory_space<hbm>>
    tpu.enqueue_indirect_dma source(%dma_start3A_81 : memref<1000000x64xf32, #tpu.memory_space<hbm>>) target(%dma_start3A_75 : memref<72x64xf32, #tpu.memory_space<vmem>>) offsets(%dma_start3A_78 : memref<72xi32, #tpu.memory_space<vmem>>) semaphore(%arg17 : memref<!tpu.dma_semaphore, #tpu.memory_space<semaphore_mem>>)
    %scan3A = arith.constant 0 : i32
    %scan3A_82 = arith.constant 0 : i32
    %scan3A_83 = arith.constant 32 : i32
    %scan3A_84 = arith.addi %scan3A_82, %scan3A_83 : i32
    %scan3A_85 = arith.constant 1 : i32
    scf.for %scan3A_118 = %scan3A_82 to %scan3A_84 step %scan3A_85  : i32 {
      %mul3A_119 = arith.constant 4 : i32
      %mul3A_120 = arith.muli %scan3A_118, %mul3A_119 : i32
      %add3A_121 = arith.constant 0 : i32
      %add3A_122 = arith.addi %mul3A_120, %add3A_121 : i32
      %dma_wait3A_123 = arith.constant 0 : i32
      %dma_wait3A_124 = arith.constant 0 : i32
      %dma_wait3A_125 = tpu.memref_slice %arg6[%dma_wait3A_123, %dma_wait3A_124] : memref<200x64xf32, #tpu.memory_space<vmem>> -> memref<128x64xf32, #tpu.memory_space<vmem>>
      %dma_wait3A_126 = arith.constant 0 : i32
      %dma_wait3A_127 = tpu.memref_slice %arg5[%add3A_122, %dma_wait3A_126] : memref<128x200xi32, #tpu.memory_space<vmem>> -> memref<1x128xi32, #tpu.memory_space<vmem>>
      %dma_wait3A_128 = tpu.memref_squeeze %dma_wait3A_127 : memref<1x128xi32, #tpu.memory_space<vmem>> -> memref<128xi32, #tpu.memory_space<vmem>>
      %dma_wait3A_129 = arith.constant 0 : i32
      %dma_wait3A_130 = arith.constant 0 : i32
      %dma_wait3A_131 = tpu.memref_slice %arg3[%dma_wait3A_129, %dma_wait3A_130] : memref<1000000x64xf32, #tpu.memory_space<hbm>> -> memref<1000000x64xf32, #tpu.memory_space<hbm>>
      tpu.wait_indirect_dma semaphore(%arg14 : memref<!tpu.dma_semaphore, #tpu.memory_space<semaphore_mem>>) src(%dma_wait3A_131 : memref<1000000x64xf32, #tpu.memory_space<hbm>>) dst(%dma_wait3A_125 : memref<128x64xf32, #tpu.memory_space<vmem>>)
      %dma_wait3A_132 = arith.constant 128 : i32
      %dma_wait3A_133 = arith.constant 0 : i32
      %dma_wait3A_134 = tpu.memref_slice %arg6[%dma_wait3A_132, %dma_wait3A_133] : memref<200x64xf32, #tpu.memory_space<vmem>> -> memref<72x64xf32, #tpu.memory_space<vmem>>
      %dma_wait3A_135 = arith.constant 128 : i32
      %dma_wait3A_136 = tpu.memref_slice %arg5[%add3A_122, %dma_wait3A_135] : memref<128x200xi32, #tpu.memory_space<vmem>> -> memref<1x72xi32, #tpu.memory_space<vmem>>
      %dma_wait3A_137 = tpu.memref_squeeze %dma_wait3A_136 : memref<1x72xi32, #tpu.memory_space<vmem>> -> memref<72xi32, #tpu.memory_space<vmem>>
      %dma_wait3A_138 = arith.constant 0 : i32
      %dma_wait3A_139 = arith.constant 0 : i32
      %dma_wait3A_140 = tpu.memref_slice %arg3[%dma_wait3A_138, %dma_wait3A_139] : memref<1000000x64xf32, #tpu.memory_space<hbm>> -> memref<1000000x64xf32, #tpu.memory_space<hbm>>
      tpu.wait_indirect_dma semaphore(%arg14 : memref<!tpu.dma_semaphore, #tpu.memory_space<semaphore_mem>>) src(%dma_wait3A_140 : memref<1000000x64xf32, #tpu.memory_space<hbm>>) dst(%dma_wait3A_134 : memref<72x64xf32, #tpu.memory_space<vmem>>)
      %gt3A = arith.constant 0 : i32
      %gt3A_141 = arith.cmpi sgt, %scan3A_118, %gt3A : i32
      %convert_element_type3A = arith.extui %gt3A_141 : i1 to i32
      %cond3A = arith.constant 0 : i32
      %cond3A_142 = arith.cmpi ne, %convert_element_type3A, %cond3A : i32
      scf.if %cond3A_142 {
        %add3A_290 = arith.addi %mul3A_2, %add3A_122 : i32
        %sub3A = arith.constant 4 : i32
        %sub3A_291 = arith.subi %add3A_290, %sub3A : i32
        %mul3A_292 = arith.constant 100 : i32
        %mul3A_293 = arith.muli %mul3A_292, %sub3A_291 : i32
        %dma_wait3A_294 = arith.constant 0 : i32
        %dma_wait3A_295 = tpu.memref_slice %arg4[%mul3A_293, %dma_wait3A_294] : memref<409600x128xf32, #tpu.memory_space<hbm>> -> memref<100x128xf32, #tpu.memory_space<hbm>>
        %dma_wait3A_296 = arith.constant 0 : i32
        %dma_wait3A_297 = tpu.memref_slice %arg4[%mul3A_293, %dma_wait3A_296] : memref<409600x128xf32, #tpu.memory_space<hbm>> -> memref<100x128xf32, #tpu.memory_space<hbm>>
        tpu.wait_dma2 semaphore(%arg18 : memref<!tpu.dma_semaphore, #tpu.memory_space<semaphore_mem>>) src(%arg10 : memref<100x128xf32, #tpu.memory_space<vmem>>) dst(%dma_wait3A_297 : memref<100x128xf32, #tpu.memory_space<hbm>>)
      } else {
      }
      %parallel_loop3A = arith.constant 0 : i32
      %parallel_loop3A_143 = arith.constant 200 : i32
      %parallel_loop3A_144 = arith.constant 1 : i32
      scf.for %parallel_loop3A_290 = %parallel_loop3A to %parallel_loop3A_143 step %parallel_loop3A_144  : i32 {
        %parallel_loop3A_291 = arith.constant 2 : i32
        %parallel_loop3A_292 = arith.divsi %parallel_loop3A_290, %parallel_loop3A_291 : i32
        %parallel_loop3A_293 = arith.constant 0 : i32
        %parallel_loop3A_294 = arith.cmpi sgt, %parallel_loop3A_290, %parallel_loop3A_293 : i32
        %parallel_loop3A_295 = arith.extui %parallel_loop3A_294 : i1 to i32
        %parallel_loop3A_296 = arith.constant 0 : i32
        %parallel_loop3A_297 = arith.cmpi slt, %parallel_loop3A_290, %parallel_loop3A_296 : i32
        %parallel_loop3A_298 = arith.extui %parallel_loop3A_297 : i1 to i32
        %parallel_loop3A_299 = arith.subi %parallel_loop3A_295, %parallel_loop3A_298 : i32
        %parallel_loop3A_300 = arith.constant 0 : i32
        %parallel_loop3A_301 = arith.cmpi sgt, %parallel_loop3A_291, %parallel_loop3A_300 : i32
        %parallel_loop3A_302 = arith.extui %parallel_loop3A_301 : i1 to i32
        %parallel_loop3A_303 = arith.constant 0 : i32
        %parallel_loop3A_304 = arith.cmpi slt, %parallel_loop3A_291, %parallel_loop3A_303 : i32
        %parallel_loop3A_305 = arith.extui %parallel_loop3A_304 : i1 to i32
        %parallel_loop3A_306 = arith.subi %parallel_loop3A_302, %parallel_loop3A_305 : i32
        %parallel_loop3A_307 = arith.cmpi ne, %parallel_loop3A_299, %parallel_loop3A_306 : i32
        %parallel_loop3A_308 = arith.remsi %parallel_loop3A_290, %parallel_loop3A_291 : i32
        %parallel_loop3A_309 = arith.constant 0 : i32
        %parallel_loop3A_310 = arith.cmpi ne, %parallel_loop3A_308, %parallel_loop3A_309 : i32
        %parallel_loop3A_311 = arith.andi %parallel_loop3A_307, %parallel_loop3A_310 : i1
        %parallel_loop3A_312 = arith.constant 1 : i32
        %parallel_loop3A_313 = arith.subi %parallel_loop3A_292, %parallel_loop3A_312 : i32
        %parallel_loop3A_314 = arith.select %parallel_loop3A_311, %parallel_loop3A_313, %parallel_loop3A_292 : i32
        %parallel_loop3A_315 = arith.constant 2 : i32
        %parallel_loop3A_316 = arith.constant 0 : i32
        %parallel_loop3A_317 = arith.cmpi eq, %parallel_loop3A_315, %parallel_loop3A_316 : i32
        %parallel_loop3A_318 = arith.constant 1 : i32
        %parallel_loop3A_319 = arith.select %parallel_loop3A_317, %parallel_loop3A_318, %parallel_loop3A_315 : i32
        %parallel_loop3A_320 = arith.remsi %parallel_loop3A_290, %parallel_loop3A_319 : i32
        %parallel_loop3A_321 = arith.constant 0 : i32
        %parallel_loop3A_322 = arith.cmpi ne, %parallel_loop3A_320, %parallel_loop3A_321 : i32
        %parallel_loop3A_323 = arith.constant 0 : i32
        %parallel_loop3A_324 = arith.cmpi slt, %parallel_loop3A_320, %parallel_loop3A_323 : i32
        %parallel_loop3A_325 = arith.constant 0 : i32
        %parallel_loop3A_326 = arith.cmpi slt, %parallel_loop3A_319, %parallel_loop3A_325 : i32
        %parallel_loop3A_327 = arith.xori %parallel_loop3A_324, %parallel_loop3A_326 : i1
        %parallel_loop3A_328 = arith.andi %parallel_loop3A_327, %parallel_loop3A_322 : i1
        %parallel_loop3A_329 = arith.addi %parallel_loop3A_320, %parallel_loop3A_319 : i32
        %parallel_loop3A_330 = arith.select %parallel_loop3A_328, %parallel_loop3A_329, %parallel_loop3A_320 : i32
        %parallel_loop3A_331 = arith.constant 64 : i32
        %parallel_loop3A_332 = arith.muli %parallel_loop3A_331, %parallel_loop3A_330 : i32
        %parallel_loop3A_333 = arith.index_cast %parallel_loop3A_290 : i32 to index
        %parallel_loop3A_334 = arith.constant 0 : index
        %parallel_loop3A_335 = tpu.vector_load %arg6[%parallel_loop3A_333, %parallel_loop3A_334] {strides = array<i32>} : memref<200x64xf32, #tpu.memory_space<vmem>>, vector<16xf32>,
        %parallel_loop3A_336 = arith.constant 8.000000e+00 : f32
        %parallel_loop3A_337 = vector.broadcast %parallel_loop3A_336 : f32 to vector<16xf32>
        %parallel_loop3A_338 = arith.mulf %parallel_loop3A_335, %parallel_loop3A_337 : vector<16xf32>
        %parallel_loop3A_339 = arith.constant 0 : i32
        %parallel_loop3A_340 = arith.addi %parallel_loop3A_332, %parallel_loop3A_339 : i32
        %parallel_loop3A_341 = arith.index_cast %parallel_loop3A_314 : i32 to index
        %parallel_loop3A_342 = arith.index_cast %parallel_loop3A_340 : i32 to index
        %parallel_loop3A_343 = tpu.vector_load %arg10[%parallel_loop3A_341, %parallel_loop3A_342] {strides = array<i32>} : memref<100x128xf32, #tpu.memory_space<vmem>>, vector<16xf32>,
        tpu.vector_store %arg10[%parallel_loop3A_341, %parallel_loop3A_342], %parallel_loop3A_338 {strides = array<i32>} : memref<100x128xf32, #tpu.memory_space<vmem>>, vector<16xf32>,
        %parallel_loop3A_344 = arith.index_cast %parallel_loop3A_290 : i32 to index
        %parallel_loop3A_345 = arith.constant 16 : index
        %parallel_loop3A_346 = tpu.vector_load %arg6[%parallel_loop3A_344, %parallel_loop3A_345] {strides = array<i32>} : memref<200x64xf32, #tpu.memory_space<vmem>>, vector<16xf32>,
        %parallel_loop3A_347 = arith.constant 8.000000e+00 : f32
        %parallel_loop3A_348 = vector.broadcast %parallel_loop3A_347 : f32 to vector<16xf32>
        %parallel_loop3A_349 = arith.mulf %parallel_loop3A_346, %parallel_loop3A_348 : vector<16xf32>
        %parallel_loop3A_350 = arith.constant 16 : i32
        %parallel_loop3A_351 = arith.addi %parallel_loop3A_332, %parallel_loop3A_350 : i32
        %parallel_loop3A_352 = arith.index_cast %parallel_loop3A_314 : i32 to index
        %parallel_loop3A_353 = arith.index_cast %parallel_loop3A_351 : i32 to index
        %parallel_loop3A_354 = tpu.vector_load %arg10[%parallel_loop3A_352, %parallel_loop3A_353] {strides = array<i32>} : memref<100x128xf32, #tpu.memory_space<vmem>>, vector<16xf32>,
        tpu.vector_store %arg10[%parallel_loop3A_352, %parallel_loop3A_353], %parallel_loop3A_349 {strides = array<i32>} : memref<100x128xf32, #tpu.memory_space<vmem>>, vector<16xf32>,
        %parallel_loop3A_355 = arith.index_cast %parallel_loop3A_290 : i32 to index
        %parallel_loop3A_356 = arith.constant 32 : index
        %parallel_loop3A_357 = tpu.vector_load %arg6[%parallel_loop3A_355, %parallel_loop3A_356] {strides = array<i32>} : memref<200x64xf32, #tpu.memory_space<vmem>>, vector<16xf32>,
        %parallel_loop3A_358 = arith.constant 8.000000e+00 : f32
        %parallel_loop3A_359 = vector.broadcast %parallel_loop3A_358 : f32 to vector<16xf32>
        %parallel_loop3A_360 = arith.mulf %parallel_loop3A_357, %parallel_loop3A_359 : vector<16xf32>
        %parallel_loop3A_361 = arith.constant 32 : i32
        %parallel_loop3A_362 = arith.addi %parallel_loop3A_332, %parallel_loop3A_361 : i32
        %parallel_loop3A_363 = arith.index_cast %parallel_loop3A_314 : i32 to index
        %parallel_loop3A_364 = arith.index_cast %parallel_loop3A_362 : i32 to index
        %parallel_loop3A_365 = tpu.vector_load %arg10[%parallel_loop3A_363, %parallel_loop3A_364] {strides = array<i32>} : memref<100x128xf32, #tpu.memory_space<vmem>>, vector<16xf32>,
        tpu.vector_store %arg10[%parallel_loop3A_363, %parallel_loop3A_364], %parallel_loop3A_360 {strides = array<i32>} : memref<100x128xf32, #tpu.memory_space<vmem>>, vector<16xf32>,
        %parallel_loop3A_366 = arith.index_cast %parallel_loop3A_290 : i32 to index
        %parallel_loop3A_367 = arith.constant 48 : index
        %parallel_loop3A_368 = tpu.vector_load %arg6[%parallel_loop3A_366, %parallel_loop3A_367] {strides = array<i32>} : memref<200x64xf32, #tpu.memory_space<vmem>>, vector<16xf32>,
        %parallel_loop3A_369 = arith.constant 8.000000e+00 : f32
        %parallel_loop3A_370 = vector.broadcast %parallel_loop3A_369 : f32 to vector<16xf32>
        %parallel_loop3A_371 = arith.mulf %parallel_loop3A_368, %parallel_loop3A_370 : vector<16xf32>
        %parallel_loop3A_372 = arith.constant 48 : i32
        %parallel_loop3A_373 = arith.addi %parallel_loop3A_332, %parallel_loop3A_372 : i32
        %parallel_loop3A_374 = arith.index_cast %parallel_loop3A_314 : i32 to index
        %parallel_loop3A_375 = arith.index_cast %parallel_loop3A_373 : i32 to index
        %parallel_loop3A_376 = tpu.vector_load %arg10[%parallel_loop3A_374, %parallel_loop3A_375] {strides = array<i32>} : memref<100x128xf32, #tpu.memory_space<vmem>>, vector<16xf32>,
        tpu.vector_store %arg10[%parallel_loop3A_374, %parallel_loop3A_375], %parallel_loop3A_371 {strides = array<i32>} : memref<100x128xf32, #tpu.memory_space<vmem>>, vector<16xf32>,
      } {sc.loop_unroll_factor = 4 : i64, sc.parallel_access}
      %add3A_145 = arith.constant 4 : i32
      %add3A_146 = arith.addi %add3A_122, %add3A_145 : i32
      %lt3A = arith.constant 128 : i32
      %lt3A_147 = arith.cmpi slt, %add3A_146, %lt3A : i32
      %convert_element_type3A_148 = arith.extui %lt3A_147 : i1 to i32
      %cond3A_149 = arith.constant 0 : i32
      %cond3A_150 = arith.cmpi ne, %convert_element_type3A_148, %cond3A_149 : i32
      scf.if %cond3A_150 {
        %add3A_290 = arith.constant 4 : i32
        %add3A_291 = arith.addi %add3A_122, %add3A_290 : i32
        %dma_start3A_292 = arith.constant 0 : i32
        %dma_start3A_293 = arith.constant 0 : i32
        %dma_start3A_294 = tpu.memref_slice %arg6[%dma_start3A_292, %dma_start3A_293] : memref<200x64xf32, #tpu.memory_space<vmem>> -> memref<128x64xf32, #tpu.memory_space<vmem>>
        %dma_start3A_295 = arith.constant 0 : i32
        %dma_start3A_296 = tpu.memref_slice %arg5[%add3A_291, %dma_start3A_295] : memref<128x200xi32, #tpu.memory_space<vmem>> -> memref<1x128xi32, #tpu.memory_space<vmem>>
        %dma_start3A_297 = tpu.memref_squeeze %dma_start3A_296 : memref<1x128xi32, #tpu.memory_space<vmem>> -> memref<128xi32, #tpu.memory_space<vmem>>
        %dma_start3A_298 = arith.constant 0 : i32
        %dma_start3A_299 = arith.constant 0 : i32
        %dma_start3A_300 = tpu.memref_slice %arg3[%dma_start3A_298, %dma_start3A_299] : memref<1000000x64xf32, #tpu.memory_space<hbm>> -> memref<1000000x64xf32, #tpu.memory_space<hbm>>
        tpu.enqueue_indirect_dma source(%dma_start3A_300 : memref<1000000x64xf32, #tpu.memory_space<hbm>>) target(%dma_start3A_294 : memref<128x64xf32, #tpu.memory_space<vmem>>) offsets(%dma_start3A_297 : memref<128xi32, #tpu.memory_space<vmem>>) semaphore(%arg14 : memref<!tpu.dma_semaphore, #tpu.memory_space<semaphore_mem>>)
        %dma_start3A_301 = arith.constant 128 : i32
        %dma_start3A_302 = arith.constant 0 : i32
        %dma_start3A_303 = tpu.memref_slice %arg6[%dma_start3A_301, %dma_start3A_302] : memref<200x64xf32, #tpu.memory_space<vmem>> -> memref<72x64xf32, #tpu.memory_space<vmem>>
        %dma_start3A_304 = arith.constant 128 : i32
        %dma_start3A_305 = tpu.memref_slice %arg5[%add3A_291, %dma_start3A_304] : memref<128x200xi32, #tpu.memory_space<vmem>> -> memref<1x72xi32, #tpu.memory_space<vmem>>
        %dma_start3A_306 = tpu.memref_squeeze %dma_start3A_305 : memref<1x72xi32, #tpu.memory_space<vmem>> -> memref<72xi32, #tpu.memory_space<vmem>>
        %dma_start3A_307 = arith.constant 0 : i32
        %dma_start3A_308 = arith.constant 0 : i32
        %dma_start3A_309 = tpu.memref_slice %arg3[%dma_start3A_307, %dma_start3A_308] : memref<1000000x64xf32, #tpu.memory_space<hbm>> -> memref<1000000x64xf32, #tpu.memory_space<hbm>>
        tpu.enqueue_indirect_dma source(%dma_start3A_309 : memref<1000000x64xf32, #tpu.memory_space<hbm>>) target(%dma_start3A_303 : memref<72x64xf32, #tpu.memory_space<vmem>>) offsets(%dma_start3A_306 : memref<72xi32, #tpu.memory_space<vmem>>) semaphore(%arg14 : memref<!tpu.dma_semaphore, #tpu.memory_space<semaphore_mem>>)
      } else {
      }
      %add3A_151 = arith.addi %mul3A_2, %add3A_122 : i32
      %mul3A_152 = arith.constant 100 : i32
      %mul3A_153 = arith.muli %mul3A_152, %add3A_151 : i32
      %dma_start3A_154 = arith.constant 0 : i32
      %dma_start3A_155 = tpu.memref_slice %arg4[%mul3A_153, %dma_start3A_154] : memref<409600x128xf32, #tpu.memory_space<hbm>> -> memref<100x128xf32, #tpu.memory_space<hbm>>
      %dma_start3A_156 = arith.constant 0 : i32
      %dma_start3A_157 = tpu.memref_slice %arg4[%mul3A_153, %dma_start3A_156] : memref<409600x128xf32, #tpu.memory_space<hbm>> -> memref<100x128xf32, #tpu.memory_space<hbm>>
      tpu.enqueue_dma source(%arg10 : memref<100x128xf32, #tpu.memory_space<vmem>>) target(%dma_start3A_157 : memref<100x128xf32, #tpu.memory_space<hbm>>) target_semaphore(%arg18 : memref<!tpu.dma_semaphore, #tpu.memory_space<semaphore_mem>>)
      %mul3A_158 = arith.constant 4 : i32
      %mul3A_159 = arith.muli %scan3A_118, %mul3A_158 : i32
      %add3A_160 = arith.constant 1 : i32
      %add3A_161 = arith.addi %mul3A_159, %add3A_160 : i32
      %dma_wait3A_162 = arith.constant 0 : i32
      %dma_wait3A_163 = arith.constant 0 : i32
      %dma_wait3A_164 = tpu.memref_slice %arg7[%dma_wait3A_162, %dma_wait3A_163] : memref<200x64xf32, #tpu.memory_space<vmem>> -> memref<128x64xf32, #tpu.memory_space<vmem>>
      %dma_wait3A_165 = arith.constant 0 : i32
      %dma_wait3A_166 = tpu.memref_slice %arg5[%add3A_161, %dma_wait3A_165] : memref<128x200xi32, #tpu.memory_space<vmem>> -> memref<1x128xi32, #tpu.memory_space<vmem>>
      %dma_wait3A_167 = tpu.memref_squeeze %dma_wait3A_166 : memref<1x128xi32, #tpu.memory_space<vmem>> -> memref<128xi32, #tpu.memory_space<vmem>>
      %dma_wait3A_168 = arith.constant 0 : i32
      %dma_wait3A_169 = arith.constant 0 : i32
      %dma_wait3A_170 = tpu.memref_slice %arg3[%dma_wait3A_168, %dma_wait3A_169] : memref<1000000x64xf32, #tpu.memory_space<hbm>> -> memref<1000000x64xf32, #tpu.memory_space<hbm>>
      tpu.wait_indirect_dma semaphore(%arg15 : memref<!tpu.dma_semaphore, #tpu.memory_space<semaphore_mem>>) src(%dma_wait3A_170 : memref<1000000x64xf32, #tpu.memory_space<hbm>>) dst(%dma_wait3A_164 : memref<128x64xf32, #tpu.memory_space<vmem>>)
      %dma_wait3A_171 = arith.constant 128 : i32
      %dma_wait3A_172 = arith.constant 0 : i32
      %dma_wait3A_173 = tpu.memref_slice %arg7[%dma_wait3A_171, %dma_wait3A_172] : memref<200x64xf32, #tpu.memory_space<vmem>> -> memref<72x64xf32, #tpu.memory_space<vmem>>
      %dma_wait3A_174 = arith.constant 128 : i32
      %dma_wait3A_175 = tpu.memref_slice %arg5[%add3A_161, %dma_wait3A_174] : memref<128x200xi32, #tpu.memory_space<vmem>> -> memref<1x72xi32, #tpu.memory_space<vmem>>
      %dma_wait3A_176 = tpu.memref_squeeze %dma_wait3A_175 : memref<1x72xi32, #tpu.memory_space<vmem>> -> memref<72xi32, #tpu.memory_space<vmem>>
      %dma_wait3A_177 = arith.constant 0 : i32
      %dma_wait3A_178 = arith.constant 0 : i32
      %dma_wait3A_179 = tpu.memref_slice %arg3[%dma_wait3A_177, %dma_wait3A_178] : memref<1000000x64xf32, #tpu.memory_space<hbm>> -> memref<1000000x64xf32, #tpu.memory_space<hbm>>
      tpu.wait_indirect_dma semaphore(%arg15 : memref<!tpu.dma_semaphore, #tpu.memory_space<semaphore_mem>>) src(%dma_wait3A_179 : memref<1000000x64xf32, #tpu.memory_space<hbm>>) dst(%dma_wait3A_173 : memref<72x64xf32, #tpu.memory_space<vmem>>)
      %gt3A_180 = arith.constant 0 : i32
      %gt3A_181 = arith.cmpi sgt, %scan3A_118, %gt3A_180 : i32
      %convert_element_type3A_182 = arith.extui %gt3A_181 : i1 to i32
      %cond3A_183 = arith.constant 0 : i32
      %cond3A_184 = arith.cmpi ne, %convert_element_type3A_182, %cond3A_183 : i32
      scf.if %cond3A_184 {
        %add3A_290 = arith.addi %mul3A_2, %add3A_161 : i32
        %sub3A = arith.constant 4 : i32
        %sub3A_291 = arith.subi %add3A_290, %sub3A : i32
        %mul3A_292 = arith.constant 100 : i32
        %mul3A_293 = arith.muli %mul3A_292, %sub3A_291 : i32
        %dma_wait3A_294 = arith.constant 0 : i32
        %dma_wait3A_295 = tpu.memref_slice %arg4[%mul3A_293, %dma_wait3A_294] : memref<409600x128xf32, #tpu.memory_space<hbm>> -> memref<100x128xf32, #tpu.memory_space<hbm>>
        %dma_wait3A_296 = arith.constant 0 : i32
        %dma_wait3A_297 = tpu.memref_slice %arg4[%mul3A_293, %dma_wait3A_296] : memref<409600x128xf32, #tpu.memory_space<hbm>> -> memref<100x128xf32, #tpu.memory_space<hbm>>
        tpu.wait_dma2 semaphore(%arg19 : memref<!tpu.dma_semaphore, #tpu.memory_space<semaphore_mem>>) src(%arg11 : memref<100x128xf32, #tpu.memory_space<vmem>>) dst(%dma_wait3A_297 : memref<100x128xf32, #tpu.memory_space<hbm>>)
      } else {
      }
      %parallel_loop3A_185 = arith.constant 0 : i32
      %parallel_loop3A_186 = arith.constant 200 : i32
      %parallel_loop3A_187 = arith.constant 1 : i32
      scf.for %parallel_loop3A_290 = %parallel_loop3A_185 to %parallel_loop3A_186 step %parallel_loop3A_187  : i32 {
        %parallel_loop3A_291 = arith.constant 2 : i32
        %parallel_loop3A_292 = arith.divsi %parallel_loop3A_290, %parallel_loop3A_291 : i32
        %parallel_loop3A_293 = arith.constant 0 : i32
        %parallel_loop3A_294 = arith.cmpi sgt, %parallel_loop3A_290, %parallel_loop3A_293 : i32
        %parallel_loop3A_295 = arith.extui %parallel_loop3A_294 : i1 to i32
        %parallel_loop3A_296 = arith.constant 0 : i32
        %parallel_loop3A_297 = arith.cmpi slt, %parallel_loop3A_290, %parallel_loop3A_296 : i32
        %parallel_loop3A_298 = arith.extui %parallel_loop3A_297 : i1 to i32
        %parallel_loop3A_299 = arith.subi %parallel_loop3A_295, %parallel_loop3A_298 : i32
        %parallel_loop3A_300 = arith.constant 0 : i32
        %parallel_loop3A_301 = arith.cmpi sgt, %parallel_loop3A_291, %parallel_loop3A_300 : i32
        %parallel_loop3A_302 = arith.extui %parallel_loop3A_301 : i1 to i32
        %parallel_loop3A_303 = arith.constant 0 : i32
        %parallel_loop3A_304 = arith.cmpi slt, %parallel_loop3A_291, %parallel_loop3A_303 : i32
        %parallel_loop3A_305 = arith.extui %parallel_loop3A_304 : i1 to i32
        %parallel_loop3A_306 = arith.subi %parallel_loop3A_302, %parallel_loop3A_305 : i32
        %parallel_loop3A_307 = arith.cmpi ne, %parallel_loop3A_299, %parallel_loop3A_306 : i32
        %parallel_loop3A_308 = arith.remsi %parallel_loop3A_290, %parallel_loop3A_291 : i32
        %parallel_loop3A_309 = arith.constant 0 : i32
        %parallel_loop3A_310 = arith.cmpi ne, %parallel_loop3A_308, %parallel_loop3A_309 : i32
        %parallel_loop3A_311 = arith.andi %parallel_loop3A_307, %parallel_loop3A_310 : i1
        %parallel_loop3A_312 = arith.constant 1 : i32
        %parallel_loop3A_313 = arith.subi %parallel_loop3A_292, %parallel_loop3A_312 : i32
        %parallel_loop3A_314 = arith.select %parallel_loop3A_311, %parallel_loop3A_313, %parallel_loop3A_292 : i32
        %parallel_loop3A_315 = arith.constant 2 : i32
        %parallel_loop3A_316 = arith.constant 0 : i32
        %parallel_loop3A_317 = arith.cmpi eq, %parallel_loop3A_315, %parallel_loop3A_316 : i32
        %parallel_loop3A_318 = arith.constant 1 : i32
        %parallel_loop3A_319 = arith.select %parallel_loop3A_317, %parallel_loop3A_318, %parallel_loop3A_315 : i32
        %parallel_loop3A_320 = arith.remsi %parallel_loop3A_290, %parallel_loop3A_319 : i32
        %parallel_loop3A_321 = arith.constant 0 : i32
        %parallel_loop3A_322 = arith.cmpi ne, %parallel_loop3A_320, %parallel_loop3A_321 : i32
        %parallel_loop3A_323 = arith.constant 0 : i32
        %parallel_loop3A_324 = arith.cmpi slt, %parallel_loop3A_320, %parallel_loop3A_323 : i32
        %parallel_loop3A_325 = arith.constant 0 : i32
        %parallel_loop3A_326 = arith.cmpi slt, %parallel_loop3A_319, %parallel_loop3A_325 : i32
        %parallel_loop3A_327 = arith.xori %parallel_loop3A_324, %parallel_loop3A_326 : i1
        %parallel_loop3A_328 = arith.andi %parallel_loop3A_327, %parallel_loop3A_322 : i1
        %parallel_loop3A_329 = arith.addi %parallel_loop3A_320, %parallel_loop3A_319 : i32
        %parallel_loop3A_330 = arith.select %parallel_loop3A_328, %parallel_loop3A_329, %parallel_loop3A_320 : i32
        %parallel_loop3A_331 = arith.constant 64 : i32
        %parallel_loop3A_332 = arith.muli %parallel_loop3A_331, %parallel_loop3A_330 : i32
        %parallel_loop3A_333 = arith.index_cast %parallel_loop3A_290 : i32 to index
        %parallel_loop3A_334 = arith.constant 0 : index
        %parallel_loop3A_335 = tpu.vector_load %arg7[%parallel_loop3A_333, %parallel_loop3A_334] {strides = array<i32>} : memref<200x64xf32, #tpu.memory_space<vmem>>, vector<16xf32>,
        %parallel_loop3A_336 = arith.constant 8.000000e+00 : f32
        %parallel_loop3A_337 = vector.broadcast %parallel_loop3A_336 : f32 to vector<16xf32>
        %parallel_loop3A_338 = arith.mulf %parallel_loop3A_335, %parallel_loop3A_337 : vector<16xf32>
        %parallel_loop3A_339 = arith.constant 0 : i32
        %parallel_loop3A_340 = arith.addi %parallel_loop3A_332, %parallel_loop3A_339 : i32
        %parallel_loop3A_341 = arith.index_cast %parallel_loop3A_314 : i32 to index
        %parallel_loop3A_342 = arith.index_cast %parallel_loop3A_340 : i32 to index
        %parallel_loop3A_343 = tpu.vector_load %arg11[%parallel_loop3A_341, %parallel_loop3A_342] {strides = array<i32>} : memref<100x128xf32, #tpu.memory_space<vmem>>, vector<16xf32>,
        tpu.vector_store %arg11[%parallel_loop3A_341, %parallel_loop3A_342], %parallel_loop3A_338 {strides = array<i32>} : memref<100x128xf32, #tpu.memory_space<vmem>>, vector<16xf32>,
        %parallel_loop3A_344 = arith.index_cast %parallel_loop3A_290 : i32 to index
        %parallel_loop3A_345 = arith.constant 16 : index
        %parallel_loop3A_346 = tpu.vector_load %arg7[%parallel_loop3A_344, %parallel_loop3A_345] {strides = array<i32>} : memref<200x64xf32, #tpu.memory_space<vmem>>, vector<16xf32>,
        %parallel_loop3A_347 = arith.constant 8.000000e+00 : f32
        %parallel_loop3A_348 = vector.broadcast %parallel_loop3A_347 : f32 to vector<16xf32>
        %parallel_loop3A_349 = arith.mulf %parallel_loop3A_346, %parallel_loop3A_348 : vector<16xf32>
        %parallel_loop3A_350 = arith.constant 16 : i32
        %parallel_loop3A_351 = arith.addi %parallel_loop3A_332, %parallel_loop3A_350 : i32
        %parallel_loop3A_352 = arith.index_cast %parallel_loop3A_314 : i32 to index
        %parallel_loop3A_353 = arith.index_cast %parallel_loop3A_351 : i32 to index
        %parallel_loop3A_354 = tpu.vector_load %arg11[%parallel_loop3A_352, %parallel_loop3A_353] {strides = array<i32>} : memref<100x128xf32, #tpu.memory_space<vmem>>, vector<16xf32>,
        tpu.vector_store %arg11[%parallel_loop3A_352, %parallel_loop3A_353], %parallel_loop3A_349 {strides = array<i32>} : memref<100x128xf32, #tpu.memory_space<vmem>>, vector<16xf32>,
        %parallel_loop3A_355 = arith.index_cast %parallel_loop3A_290 : i32 to index
        %parallel_loop3A_356 = arith.constant 32 : index
        %parallel_loop3A_357 = tpu.vector_load %arg7[%parallel_loop3A_355, %parallel_loop3A_356] {strides = array<i32>} : memref<200x64xf32, #tpu.memory_space<vmem>>, vector<16xf32>,
        %parallel_loop3A_358 = arith.constant 8.000000e+00 : f32
        %parallel_loop3A_359 = vector.broadcast %parallel_loop3A_358 : f32 to vector<16xf32>
        %parallel_loop3A_360 = arith.mulf %parallel_loop3A_357, %parallel_loop3A_359 : vector<16xf32>
        %parallel_loop3A_361 = arith.constant 32 : i32
        %parallel_loop3A_362 = arith.addi %parallel_loop3A_332, %parallel_loop3A_361 : i32
        %parallel_loop3A_363 = arith.index_cast %parallel_loop3A_314 : i32 to index
        %parallel_loop3A_364 = arith.index_cast %parallel_loop3A_362 : i32 to index
        %parallel_loop3A_365 = tpu.vector_load %arg11[%parallel_loop3A_363, %parallel_loop3A_364] {strides = array<i32>} : memref<100x128xf32, #tpu.memory_space<vmem>>, vector<16xf32>,
        tpu.vector_store %arg11[%parallel_loop3A_363, %parallel_loop3A_364], %parallel_loop3A_360 {strides = array<i32>} : memref<100x128xf32, #tpu.memory_space<vmem>>, vector<16xf32>,
        %parallel_loop3A_366 = arith.index_cast %parallel_loop3A_290 : i32 to index
        %parallel_loop3A_367 = arith.constant 48 : index
        %parallel_loop3A_368 = tpu.vector_load %arg7[%parallel_loop3A_366, %parallel_loop3A_367] {strides = array<i32>} : memref<200x64xf32, #tpu.memory_space<vmem>>, vector<16xf32>,
        %parallel_loop3A_369 = arith.constant 8.000000e+00 : f32
        %parallel_loop3A_370 = vector.broadcast %parallel_loop3A_369 : f32 to vector<16xf32>
        %parallel_loop3A_371 = arith.mulf %parallel_loop3A_368, %parallel_loop3A_370 : vector<16xf32>
        %parallel_loop3A_372 = arith.constant 48 : i32
        %parallel_loop3A_373 = arith.addi %parallel_loop3A_332, %parallel_loop3A_372 : i32
        %parallel_loop3A_374 = arith.index_cast %parallel_loop3A_314 : i32 to index
        %parallel_loop3A_375 = arith.index_cast %parallel_loop3A_373 : i32 to index
        %parallel_loop3A_376 = tpu.vector_load %arg11[%parallel_loop3A_374, %parallel_loop3A_375] {strides = array<i32>} : memref<100x128xf32, #tpu.memory_space<vmem>>, vector<16xf32>,
        tpu.vector_store %arg11[%parallel_loop3A_374, %parallel_loop3A_375], %parallel_loop3A_371 {strides = array<i32>} : memref<100x128xf32, #tpu.memory_space<vmem>>, vector<16xf32>,
      } {sc.loop_unroll_factor = 4 : i64, sc.parallel_access}
      %add3A_188 = arith.constant 4 : i32
      %add3A_189 = arith.addi %add3A_161, %add3A_188 : i32
      %lt3A_190 = arith.constant 128 : i32
      %lt3A_191 = arith.cmpi slt, %add3A_189, %lt3A_190 : i32
      %convert_element_type3A_192 = arith.extui %lt3A_191 : i1 to i32
      %cond3A_193 = arith.constant 0 : i32
      %cond3A_194 = arith.cmpi ne, %convert_element_type3A_192, %cond3A_193 : i32
      scf.if %cond3A_194 {
        %add3A_290 = arith.constant 4 : i32
        %add3A_291 = arith.addi %add3A_161, %add3A_290 : i32
        %dma_start3A_292 = arith.constant 0 : i32
        %dma_start3A_293 = arith.constant 0 : i32
        %dma_start3A_294 = tpu.memref_slice %arg7[%dma_start3A_292, %dma_start3A_293] : memref<200x64xf32, #tpu.memory_space<vmem>> -> memref<128x64xf32, #tpu.memory_space<vmem>>
        %dma_start3A_295 = arith.constant 0 : i32
        %dma_start3A_296 = tpu.memref_slice %arg5[%add3A_291, %dma_start3A_295] : memref<128x200xi32, #tpu.memory_space<vmem>> -> memref<1x128xi32, #tpu.memory_space<vmem>>
        %dma_start3A_297 = tpu.memref_squeeze %dma_start3A_296 : memref<1x128xi32, #tpu.memory_space<vmem>> -> memref<128xi32, #tpu.memory_space<vmem>>
        %dma_start3A_298 = arith.constant 0 : i32
        %dma_start3A_299 = arith.constant 0 : i32
        %dma_start3A_300 = tpu.memref_slice %arg3[%dma_start3A_298, %dma_start3A_299] : memref<1000000x64xf32, #tpu.memory_space<hbm>> -> memref<1000000x64xf32, #tpu.memory_space<hbm>>
        tpu.enqueue_indirect_dma source(%dma_start3A_300 : memref<1000000x64xf32, #tpu.memory_space<hbm>>) target(%dma_start3A_294 : memref<128x64xf32, #tpu.memory_space<vmem>>) offsets(%dma_start3A_297 : memref<128xi32, #tpu.memory_space<vmem>>) semaphore(%arg15 : memref<!tpu.dma_semaphore, #tpu.memory_space<semaphore_mem>>)
        %dma_start3A_301 = arith.constant 128 : i32
        %dma_start3A_302 = arith.constant 0 : i32
        %dma_start3A_303 = tpu.memref_slice %arg7[%dma_start3A_301, %dma_start3A_302] : memref<200x64xf32, #tpu.memory_space<vmem>> -> memref<72x64xf32, #tpu.memory_space<vmem>>
        %dma_start3A_304 = arith.constant 128 : i32
        %dma_start3A_305 = tpu.memref_slice %arg5[%add3A_291, %dma_start3A_304] : memref<128x200xi32, #tpu.memory_space<vmem>> -> memref<1x72xi32, #tpu.memory_space<vmem>>
        %dma_start3A_306 = tpu.memref_squeeze %dma_start3A_305 : memref<1x72xi32, #tpu.memory_space<vmem>> -> memref<72xi32, #tpu.memory_space<vmem>>
        %dma_start3A_307 = arith.constant 0 : i32
        %dma_start3A_308 = arith.constant 0 : i32
        %dma_start3A_309 = tpu.memref_slice %arg3[%dma_start3A_307, %dma_start3A_308] : memref<1000000x64xf32, #tpu.memory_space<hbm>> -> memref<1000000x64xf32, #tpu.memory_space<hbm>>
        tpu.enqueue_indirect_dma source(%dma_start3A_309 : memref<1000000x64xf32, #tpu.memory_space<hbm>>) target(%dma_start3A_303 : memref<72x64xf32, #tpu.memory_space<vmem>>) offsets(%dma_start3A_306 : memref<72xi32, #tpu.memory_space<vmem>>) semaphore(%arg15 : memref<!tpu.dma_semaphore, #tpu.memory_space<semaphore_mem>>)
      } else {
      }
      %add3A_195 = arith.addi %mul3A_2, %add3A_161 : i32
      %mul3A_196 = arith.constant 100 : i32
      %mul3A_197 = arith.muli %mul3A_196, %add3A_195 : i32
      %dma_start3A_198 = arith.constant 0 : i32
      %dma_start3A_199 = tpu.memref_slice %arg4[%mul3A_197, %dma_start3A_198] : memref<409600x128xf32, #tpu.memory_space<hbm>> -> memref<100x128xf32, #tpu.memory_space<hbm>>
      %dma_start3A_200 = arith.constant 0 : i32
      %dma_start3A_201 = tpu.memref_slice %arg4[%mul3A_197, %dma_start3A_200] : memref<409600x128xf32, #tpu.memory_space<hbm>> -> memref<100x128xf32, #tpu.memory_space<hbm>>
      tpu.enqueue_dma source(%arg11 : memref<100x128xf32, #tpu.memory_space<vmem>>) target(%dma_start3A_201 : memref<100x128xf32, #tpu.memory_space<hbm>>) target_semaphore(%arg19 : memref<!tpu.dma_semaphore, #tpu.memory_space<semaphore_mem>>)
      %mul3A_202 = arith.constant 4 : i32
      %mul3A_203 = arith.muli %scan3A_118, %mul3A_202 : i32
      %add3A_204 = arith.constant 2 : i32
      %add3A_205 = arith.addi %mul3A_203, %add3A_204 : i32
      %dma_wait3A_206 = arith.constant 0 : i32
      %dma_wait3A_207 = arith.constant 0 : i32
      %dma_wait3A_208 = tpu.memref_slice %arg8[%dma_wait3A_206, %dma_wait3A_207] : memref<200x64xf32, #tpu.memory_space<vmem>> -> memref<128x64xf32, #tpu.memory_space<vmem>>
      %dma_wait3A_209 = arith.constant 0 : i32
      %dma_wait3A_210 = tpu.memref_slice %arg5[%add3A_205, %dma_wait3A_209] : memref<128x200xi32, #tpu.memory_space<vmem>> -> memref<1x128xi32, #tpu.memory_space<vmem>>
      %dma_wait3A_211 = tpu.memref_squeeze %dma_wait3A_210 : memref<1x128xi32, #tpu.memory_space<vmem>> -> memref<128xi32, #tpu.memory_space<vmem>>
      %dma_wait3A_212 = arith.constant 0 : i32
      %dma_wait3A_213 = arith.constant 0 : i32
      %dma_wait3A_214 = tpu.memref_slice %arg3[%dma_wait3A_212, %dma_wait3A_213] : memref<1000000x64xf32, #tpu.memory_space<hbm>> -> memref<1000000x64xf32, #tpu.memory_space<hbm>>
      tpu.wait_indirect_dma semaphore(%arg16 : memref<!tpu.dma_semaphore, #tpu.memory_space<semaphore_mem>>) src(%dma_wait3A_214 : memref<1000000x64xf32, #tpu.memory_space<hbm>>) dst(%dma_wait3A_208 : memref<128x64xf32, #tpu.memory_space<vmem>>)
      %dma_wait3A_215 = arith.constant 128 : i32
      %dma_wait3A_216 = arith.constant 0 : i32
      %dma_wait3A_217 = tpu.memref_slice %arg8[%dma_wait3A_215, %dma_wait3A_216] : memref<200x64xf32, #tpu.memory_space<vmem>> -> memref<72x64xf32, #tpu.memory_space<vmem>>
      %dma_wait3A_218 = arith.constant 128 : i32
      %dma_wait3A_219 = tpu.memref_slice %arg5[%add3A_205, %dma_wait3A_218] : memref<128x200xi32, #tpu.memory_space<vmem>> -> memref<1x72xi32, #tpu.memory_space<vmem>>
      %dma_wait3A_220 = tpu.memref_squeeze %dma_wait3A_219 : memref<1x72xi32, #tpu.memory_space<vmem>> -> memref<72xi32, #tpu.memory_space<vmem>>
      %dma_wait3A_221 = arith.constant 0 : i32
      %dma_wait3A_222 = arith.constant 0 : i32
      %dma_wait3A_223 = tpu.memref_slice %arg3[%dma_wait3A_221, %dma_wait3A_222] : memref<1000000x64xf32, #tpu.memory_space<hbm>> -> memref<1000000x64xf32, #tpu.memory_space<hbm>>
      tpu.wait_indirect_dma semaphore(%arg16 : memref<!tpu.dma_semaphore, #tpu.memory_space<semaphore_mem>>) src(%dma_wait3A_223 : memref<1000000x64xf32, #tpu.memory_space<hbm>>) dst(%dma_wait3A_217 : memref<72x64xf32, #tpu.memory_space<vmem>>)
      %gt3A_224 = arith.constant 0 : i32
      %gt3A_225 = arith.cmpi sgt, %scan3A_118, %gt3A_224 : i32
      %convert_element_type3A_226 = arith.extui %gt3A_225 : i1 to i32
      %cond3A_227 = arith.constant 0 : i32
      %cond3A_228 = arith.cmpi ne, %convert_element_type3A_226, %cond3A_227 : i32
      scf.if %cond3A_228 {
        %add3A_290 = arith.addi %mul3A_2, %add3A_205 : i32
        %sub3A = arith.constant 4 : i32
        %sub3A_291 = arith.subi %add3A_290, %sub3A : i32
        %mul3A_292 = arith.constant 100 : i32
        %mul3A_293 = arith.muli %mul3A_292, %sub3A_291 : i32
        %dma_wait3A_294 = arith.constant 0 : i32
        %dma_wait3A_295 = tpu.memref_slice %arg4[%mul3A_293, %dma_wait3A_294] : memref<409600x128xf32, #tpu.memory_space<hbm>> -> memref<100x128xf32, #tpu.memory_space<hbm>>
        %dma_wait3A_296 = arith.constant 0 : i32
        %dma_wait3A_297 = tpu.memref_slice %arg4[%mul3A_293, %dma_wait3A_296] : memref<409600x128xf32, #tpu.memory_space<hbm>> -> memref<100x128xf32, #tpu.memory_space<hbm>>
        tpu.wait_dma2 semaphore(%arg20 : memref<!tpu.dma_semaphore, #tpu.memory_space<semaphore_mem>>) src(%arg12 : memref<100x128xf32, #tpu.memory_space<vmem>>) dst(%dma_wait3A_297 : memref<100x128xf32, #tpu.memory_space<hbm>>)
      } else {
      }
      %parallel_loop3A_229 = arith.constant 0 : i32
      %parallel_loop3A_230 = arith.constant 200 : i32
      %parallel_loop3A_231 = arith.constant 1 : i32
      scf.for %parallel_loop3A_290 = %parallel_loop3A_229 to %parallel_loop3A_230 step %parallel_loop3A_231  : i32 {
        %parallel_loop3A_291 = arith.constant 2 : i32
        %parallel_loop3A_292 = arith.divsi %parallel_loop3A_290, %parallel_loop3A_291 : i32
        %parallel_loop3A_293 = arith.constant 0 : i32
        %parallel_loop3A_294 = arith.cmpi sgt, %parallel_loop3A_290, %parallel_loop3A_293 : i32
        %parallel_loop3A_295 = arith.extui %parallel_loop3A_294 : i1 to i32
        %parallel_loop3A_296 = arith.constant 0 : i32
        %parallel_loop3A_297 = arith.cmpi slt, %parallel_loop3A_290, %parallel_loop3A_296 : i32
        %parallel_loop3A_298 = arith.extui %parallel_loop3A_297 : i1 to i32
        %parallel_loop3A_299 = arith.subi %parallel_loop3A_295, %parallel_loop3A_298 : i32
        %parallel_loop3A_300 = arith.constant 0 : i32
        %parallel_loop3A_301 = arith.cmpi sgt, %parallel_loop3A_291, %parallel_loop3A_300 : i32
        %parallel_loop3A_302 = arith.extui %parallel_loop3A_301 : i1 to i32
        %parallel_loop3A_303 = arith.constant 0 : i32
        %parallel_loop3A_304 = arith.cmpi slt, %parallel_loop3A_291, %parallel_loop3A_303 : i32
        %parallel_loop3A_305 = arith.extui %parallel_loop3A_304 : i1 to i32
        %parallel_loop3A_306 = arith.subi %parallel_loop3A_302, %parallel_loop3A_305 : i32
        %parallel_loop3A_307 = arith.cmpi ne, %parallel_loop3A_299, %parallel_loop3A_306 : i32
        %parallel_loop3A_308 = arith.remsi %parallel_loop3A_290, %parallel_loop3A_291 : i32
        %parallel_loop3A_309 = arith.constant 0 : i32
        %parallel_loop3A_310 = arith.cmpi ne, %parallel_loop3A_308, %parallel_loop3A_309 : i32
        %parallel_loop3A_311 = arith.andi %parallel_loop3A_307, %parallel_loop3A_310 : i1
        %parallel_loop3A_312 = arith.constant 1 : i32
        %parallel_loop3A_313 = arith.subi %parallel_loop3A_292, %parallel_loop3A_312 : i32
        %parallel_loop3A_314 = arith.select %parallel_loop3A_311, %parallel_loop3A_313, %parallel_loop3A_292 : i32
        %parallel_loop3A_315 = arith.constant 2 : i32
        %parallel_loop3A_316 = arith.constant 0 : i32
        %parallel_loop3A_317 = arith.cmpi eq, %parallel_loop3A_315, %parallel_loop3A_316 : i32
        %parallel_loop3A_318 = arith.constant 1 : i32
        %parallel_loop3A_319 = arith.select %parallel_loop3A_317, %parallel_loop3A_318, %parallel_loop3A_315 : i32
        %parallel_loop3A_320 = arith.remsi %parallel_loop3A_290, %parallel_loop3A_319 : i32
        %parallel_loop3A_321 = arith.constant 0 : i32
        %parallel_loop3A_322 = arith.cmpi ne, %parallel_loop3A_320, %parallel_loop3A_321 : i32
        %parallel_loop3A_323 = arith.constant 0 : i32
        %parallel_loop3A_324 = arith.cmpi slt, %parallel_loop3A_320, %parallel_loop3A_323 : i32
        %parallel_loop3A_325 = arith.constant 0 : i32
        %parallel_loop3A_326 = arith.cmpi slt, %parallel_loop3A_319, %parallel_loop3A_325 : i32
        %parallel_loop3A_327 = arith.xori %parallel_loop3A_324, %parallel_loop3A_326 : i1
        %parallel_loop3A_328 = arith.andi %parallel_loop3A_327, %parallel_loop3A_322 : i1
        %parallel_loop3A_329 = arith.addi %parallel_loop3A_320, %parallel_loop3A_319 : i32
        %parallel_loop3A_330 = arith.select %parallel_loop3A_328, %parallel_loop3A_329, %parallel_loop3A_320 : i32
        %parallel_loop3A_331 = arith.constant 64 : i32
        %parallel_loop3A_332 = arith.muli %parallel_loop3A_331, %parallel_loop3A_330 : i32
        %parallel_loop3A_333 = arith.index_cast %parallel_loop3A_290 : i32 to index
        %parallel_loop3A_334 = arith.constant 0 : index
        %parallel_loop3A_335 = tpu.vector_load %arg8[%parallel_loop3A_333, %parallel_loop3A_334] {strides = array<i32>} : memref<200x64xf32, #tpu.memory_space<vmem>>, vector<16xf32>,
        %parallel_loop3A_336 = arith.constant 8.000000e+00 : f32
        %parallel_loop3A_337 = vector.broadcast %parallel_loop3A_336 : f32 to vector<16xf32>
        %parallel_loop3A_338 = arith.mulf %parallel_loop3A_335, %parallel_loop3A_337 : vector<16xf32>
        %parallel_loop3A_339 = arith.constant 0 : i32
        %parallel_loop3A_340 = arith.addi %parallel_loop3A_332, %parallel_loop3A_339 : i32
        %parallel_loop3A_341 = arith.index_cast %parallel_loop3A_314 : i32 to index
        %parallel_loop3A_342 = arith.index_cast %parallel_loop3A_340 : i32 to index
        %parallel_loop3A_343 = tpu.vector_load %arg12[%parallel_loop3A_341, %parallel_loop3A_342] {strides = array<i32>} : memref<100x128xf32, #tpu.memory_space<vmem>>, vector<16xf32>,
        tpu.vector_store %arg12[%parallel_loop3A_341, %parallel_loop3A_342], %parallel_loop3A_338 {strides = array<i32>} : memref<100x128xf32, #tpu.memory_space<vmem>>, vector<16xf32>,
        %parallel_loop3A_344 = arith.index_cast %parallel_loop3A_290 : i32 to index
        %parallel_loop3A_345 = arith.constant 16 : index
        %parallel_loop3A_346 = tpu.vector_load %arg8[%parallel_loop3A_344, %parallel_loop3A_345] {strides = array<i32>} : memref<200x64xf32, #tpu.memory_space<vmem>>, vector<16xf32>,
        %parallel_loop3A_347 = arith.constant 8.000000e+00 : f32
        %parallel_loop3A_348 = vector.broadcast %parallel_loop3A_347 : f32 to vector<16xf32>
        %parallel_loop3A_349 = arith.mulf %parallel_loop3A_346, %parallel_loop3A_348 : vector<16xf32>
        %parallel_loop3A_350 = arith.constant 16 : i32
        %parallel_loop3A_351 = arith.addi %parallel_loop3A_332, %parallel_loop3A_350 : i32
        %parallel_loop3A_352 = arith.index_cast %parallel_loop3A_314 : i32 to index
        %parallel_loop3A_353 = arith.index_cast %parallel_loop3A_351 : i32 to index
        %parallel_loop3A_354 = tpu.vector_load %arg12[%parallel_loop3A_352, %parallel_loop3A_353] {strides = array<i32>} : memref<100x128xf32, #tpu.memory_space<vmem>>, vector<16xf32>,
        tpu.vector_store %arg12[%parallel_loop3A_352, %parallel_loop3A_353], %parallel_loop3A_349 {strides = array<i32>} : memref<100x128xf32, #tpu.memory_space<vmem>>, vector<16xf32>,
        %parallel_loop3A_355 = arith.index_cast %parallel_loop3A_290 : i32 to index
        %parallel_loop3A_356 = arith.constant 32 : index
        %parallel_loop3A_357 = tpu.vector_load %arg8[%parallel_loop3A_355, %parallel_loop3A_356] {strides = array<i32>} : memref<200x64xf32, #tpu.memory_space<vmem>>, vector<16xf32>,
        %parallel_loop3A_358 = arith.constant 8.000000e+00 : f32
        %parallel_loop3A_359 = vector.broadcast %parallel_loop3A_358 : f32 to vector<16xf32>
        %parallel_loop3A_360 = arith.mulf %parallel_loop3A_357, %parallel_loop3A_359 : vector<16xf32>
        %parallel_loop3A_361 = arith.constant 32 : i32
        %parallel_loop3A_362 = arith.addi %parallel_loop3A_332, %parallel_loop3A_361 : i32
        %parallel_loop3A_363 = arith.index_cast %parallel_loop3A_314 : i32 to index
        %parallel_loop3A_364 = arith.index_cast %parallel_loop3A_362 : i32 to index
        %parallel_loop3A_365 = tpu.vector_load %arg12[%parallel_loop3A_363, %parallel_loop3A_364] {strides = array<i32>} : memref<100x128xf32, #tpu.memory_space<vmem>>, vector<16xf32>,
        tpu.vector_store %arg12[%parallel_loop3A_363, %parallel_loop3A_364], %parallel_loop3A_360 {strides = array<i32>} : memref<100x128xf32, #tpu.memory_space<vmem>>, vector<16xf32>,
        %parallel_loop3A_366 = arith.index_cast %parallel_loop3A_290 : i32 to index
        %parallel_loop3A_367 = arith.constant 48 : index
        %parallel_loop3A_368 = tpu.vector_load %arg8[%parallel_loop3A_366, %parallel_loop3A_367] {strides = array<i32>} : memref<200x64xf32, #tpu.memory_space<vmem>>, vector<16xf32>,
        %parallel_loop3A_369 = arith.constant 8.000000e+00 : f32
        %parallel_loop3A_370 = vector.broadcast %parallel_loop3A_369 : f32 to vector<16xf32>
        %parallel_loop3A_371 = arith.mulf %parallel_loop3A_368, %parallel_loop3A_370 : vector<16xf32>
        %parallel_loop3A_372 = arith.constant 48 : i32
        %parallel_loop3A_373 = arith.addi %parallel_loop3A_332, %parallel_loop3A_372 : i32
        %parallel_loop3A_374 = arith.index_cast %parallel_loop3A_314 : i32 to index
        %parallel_loop3A_375 = arith.index_cast %parallel_loop3A_373 : i32 to index
        %parallel_loop3A_376 = tpu.vector_load %arg12[%parallel_loop3A_374, %parallel_loop3A_375] {strides = array<i32>} : memref<100x128xf32, #tpu.memory_space<vmem>>, vector<16xf32>,
        tpu.vector_store %arg12[%parallel_loop3A_374, %parallel_loop3A_375], %parallel_loop3A_371 {strides = array<i32>} : memref<100x128xf32, #tpu.memory_space<vmem>>, vector<16xf32>,
      } {sc.loop_unroll_factor = 4 : i64, sc.parallel_access}
      %add3A_232 = arith.constant 4 : i32
      %add3A_233 = arith.addi %add3A_205, %add3A_232 : i32
      %lt3A_234 = arith.constant 128 : i32
      %lt3A_235 = arith.cmpi slt, %add3A_233, %lt3A_234 : i32
      %convert_element_type3A_236 = arith.extui %lt3A_235 : i1 to i32
      %cond3A_237 = arith.constant 0 : i32
      %cond3A_238 = arith.cmpi ne, %convert_element_type3A_236, %cond3A_237 : i32
      scf.if %cond3A_238 {
        %add3A_290 = arith.constant 4 : i32
        %add3A_291 = arith.addi %add3A_205, %add3A_290 : i32
        %dma_start3A_292 = arith.constant 0 : i32
        %dma_start3A_293 = arith.constant 0 : i32
        %dma_start3A_294 = tpu.memref_slice %arg8[%dma_start3A_292, %dma_start3A_293] : memref<200x64xf32, #tpu.memory_space<vmem>> -> memref<128x64xf32, #tpu.memory_space<vmem>>
        %dma_start3A_295 = arith.constant 0 : i32
        %dma_start3A_296 = tpu.memref_slice %arg5[%add3A_291, %dma_start3A_295] : memref<128x200xi32, #tpu.memory_space<vmem>> -> memref<1x128xi32, #tpu.memory_space<vmem>>
        %dma_start3A_297 = tpu.memref_squeeze %dma_start3A_296 : memref<1x128xi32, #tpu.memory_space<vmem>> -> memref<128xi32, #tpu.memory_space<vmem>>
        %dma_start3A_298 = arith.constant 0 : i32
        %dma_start3A_299 = arith.constant 0 : i32
        %dma_start3A_300 = tpu.memref_slice %arg3[%dma_start3A_298, %dma_start3A_299] : memref<1000000x64xf32, #tpu.memory_space<hbm>> -> memref<1000000x64xf32, #tpu.memory_space<hbm>>
        tpu.enqueue_indirect_dma source(%dma_start3A_300 : memref<1000000x64xf32, #tpu.memory_space<hbm>>) target(%dma_start3A_294 : memref<128x64xf32, #tpu.memory_space<vmem>>) offsets(%dma_start3A_297 : memref<128xi32, #tpu.memory_space<vmem>>) semaphore(%arg16 : memref<!tpu.dma_semaphore, #tpu.memory_space<semaphore_mem>>)
        %dma_start3A_301 = arith.constant 128 : i32
        %dma_start3A_302 = arith.constant 0 : i32
        %dma_start3A_303 = tpu.memref_slice %arg8[%dma_start3A_301, %dma_start3A_302] : memref<200x64xf32, #tpu.memory_space<vmem>> -> memref<72x64xf32, #tpu.memory_space<vmem>>
        %dma_start3A_304 = arith.constant 128 : i32
        %dma_start3A_305 = tpu.memref_slice %arg5[%add3A_291, %dma_start3A_304] : memref<128x200xi32, #tpu.memory_space<vmem>> -> memref<1x72xi32, #tpu.memory_space<vmem>>
        %dma_start3A_306 = tpu.memref_squeeze %dma_start3A_305 : memref<1x72xi32, #tpu.memory_space<vmem>> -> memref<72xi32, #tpu.memory_space<vmem>>
        %dma_start3A_307 = arith.constant 0 : i32
        %dma_start3A_308 = arith.constant 0 : i32
        %dma_start3A_309 = tpu.memref_slice %arg3[%dma_start3A_307, %dma_start3A_308] : memref<1000000x64xf32, #tpu.memory_space<hbm>> -> memref<1000000x64xf32, #tpu.memory_space<hbm>>
        tpu.enqueue_indirect_dma source(%dma_start3A_309 : memref<1000000x64xf32, #tpu.memory_space<hbm>>) target(%dma_start3A_303 : memref<72x64xf32, #tpu.memory_space<vmem>>) offsets(%dma_start3A_306 : memref<72xi32, #tpu.memory_space<vmem>>) semaphore(%arg16 : memref<!tpu.dma_semaphore, #tpu.memory_space<semaphore_mem>>)
      } else {
      }
      %add3A_239 = arith.addi %mul3A_2, %add3A_205 : i32
      %mul3A_240 = arith.constant 100 : i32
      %mul3A_241 = arith.muli %mul3A_240, %add3A_239 : i32
      %dma_start3A_242 = arith.constant 0 : i32
      %dma_start3A_243 = tpu.memref_slice %arg4[%mul3A_241, %dma_start3A_242] : memref<409600x128xf32, #tpu.memory_space<hbm>> -> memref<100x128xf32, #tpu.memory_space<hbm>>
      %dma_start3A_244 = arith.constant 0 : i32
      %dma_start3A_245 = tpu.memref_slice %arg4[%mul3A_241, %dma_start3A_244] : memref<409600x128xf32, #tpu.memory_space<hbm>> -> memref<100x128xf32, #tpu.memory_space<hbm>>
      tpu.enqueue_dma source(%arg12 : memref<100x128xf32, #tpu.memory_space<vmem>>) target(%dma_start3A_245 : memref<100x128xf32, #tpu.memory_space<hbm>>) target_semaphore(%arg20 : memref<!tpu.dma_semaphore, #tpu.memory_space<semaphore_mem>>)
      %mul3A_246 = arith.constant 4 : i32
      %mul3A_247 = arith.muli %scan3A_118, %mul3A_246 : i32
      %add3A_248 = arith.constant 3 : i32
      %add3A_249 = arith.addi %mul3A_247, %add3A_248 : i32
      %dma_wait3A_250 = arith.constant 0 : i32
      %dma_wait3A_251 = arith.constant 0 : i32
      %dma_wait3A_252 = tpu.memref_slice %arg9[%dma_wait3A_250, %dma_wait3A_251] : memref<200x64xf32, #tpu.memory_space<vmem>> -> memref<128x64xf32, #tpu.memory_space<vmem>>
      %dma_wait3A_253 = arith.constant 0 : i32
      %dma_wait3A_254 = tpu.memref_slice %arg5[%add3A_249, %dma_wait3A_253] : memref<128x200xi32, #tpu.memory_space<vmem>> -> memref<1x128xi32, #tpu.memory_space<vmem>>
      %dma_wait3A_255 = tpu.memref_squeeze %dma_wait3A_254 : memref<1x128xi32, #tpu.memory_space<vmem>> -> memref<128xi32, #tpu.memory_space<vmem>>
      %dma_wait3A_256 = arith.constant 0 : i32
      %dma_wait3A_257 = arith.constant 0 : i32
      %dma_wait3A_258 = tpu.memref_slice %arg3[%dma_wait3A_256, %dma_wait3A_257] : memref<1000000x64xf32, #tpu.memory_space<hbm>> -> memref<1000000x64xf32, #tpu.memory_space<hbm>>
      tpu.wait_indirect_dma semaphore(%arg17 : memref<!tpu.dma_semaphore, #tpu.memory_space<semaphore_mem>>) src(%dma_wait3A_258 : memref<1000000x64xf32, #tpu.memory_space<hbm>>) dst(%dma_wait3A_252 : memref<128x64xf32, #tpu.memory_space<vmem>>)
      %dma_wait3A_259 = arith.constant 128 : i32
      %dma_wait3A_260 = arith.constant 0 : i32
      %dma_wait3A_261 = tpu.memref_slice %arg9[%dma_wait3A_259, %dma_wait3A_260] : memref<200x64xf32, #tpu.memory_space<vmem>> -> memref<72x64xf32, #tpu.memory_space<vmem>>
      %dma_wait3A_262 = arith.constant 128 : i32
      %dma_wait3A_263 = tpu.memref_slice %arg5[%add3A_249, %dma_wait3A_262] : memref<128x200xi32, #tpu.memory_space<vmem>> -> memref<1x72xi32, #tpu.memory_space<vmem>>
      %dma_wait3A_264 = tpu.memref_squeeze %dma_wait3A_263 : memref<1x72xi32, #tpu.memory_space<vmem>> -> memref<72xi32, #tpu.memory_space<vmem>>
      %dma_wait3A_265 = arith.constant 0 : i32
      %dma_wait3A_266 = arith.constant 0 : i32
      %dma_wait3A_267 = tpu.memref_slice %arg3[%dma_wait3A_265, %dma_wait3A_266] : memref<1000000x64xf32, #tpu.memory_space<hbm>> -> memref<1000000x64xf32, #tpu.memory_space<hbm>>
      tpu.wait_indirect_dma semaphore(%arg17 : memref<!tpu.dma_semaphore, #tpu.memory_space<semaphore_mem>>) src(%dma_wait3A_267 : memref<1000000x64xf32, #tpu.memory_space<hbm>>) dst(%dma_wait3A_261 : memref<72x64xf32, #tpu.memory_space<vmem>>)
      %gt3A_268 = arith.constant 0 : i32
      %gt3A_269 = arith.cmpi sgt, %scan3A_118, %gt3A_268 : i32
      %convert_element_type3A_270 = arith.extui %gt3A_269 : i1 to i32
      %cond3A_271 = arith.constant 0 : i32
      %cond3A_272 = arith.cmpi ne, %convert_element_type3A_270, %cond3A_271 : i32
      scf.if %cond3A_272 {
        %add3A_290 = arith.addi %mul3A_2, %add3A_249 : i32
        %sub3A = arith.constant 4 : i32
        %sub3A_291 = arith.subi %add3A_290, %sub3A : i32
        %mul3A_292 = arith.constant 100 : i32
        %mul3A_293 = arith.muli %mul3A_292, %sub3A_291 : i32
        %dma_wait3A_294 = arith.constant 0 : i32
        %dma_wait3A_295 = tpu.memref_slice %arg4[%mul3A_293, %dma_wait3A_294] : memref<409600x128xf32, #tpu.memory_space<hbm>> -> memref<100x128xf32, #tpu.memory_space<hbm>>
        %dma_wait3A_296 = arith.constant 0 : i32
        %dma_wait3A_297 = tpu.memref_slice %arg4[%mul3A_293, %dma_wait3A_296] : memref<409600x128xf32, #tpu.memory_space<hbm>> -> memref<100x128xf32, #tpu.memory_space<hbm>>
        tpu.wait_dma2 semaphore(%arg21 : memref<!tpu.dma_semaphore, #tpu.memory_space<semaphore_mem>>) src(%arg13 : memref<100x128xf32, #tpu.memory_space<vmem>>) dst(%dma_wait3A_297 : memref<100x128xf32, #tpu.memory_space<hbm>>)
      } else {
      }
      %parallel_loop3A_273 = arith.constant 0 : i32
      %parallel_loop3A_274 = arith.constant 200 : i32
      %parallel_loop3A_275 = arith.constant 1 : i32
      scf.for %parallel_loop3A_290 = %parallel_loop3A_273 to %parallel_loop3A_274 step %parallel_loop3A_275  : i32 {
        %parallel_loop3A_291 = arith.constant 2 : i32
        %parallel_loop3A_292 = arith.divsi %parallel_loop3A_290, %parallel_loop3A_291 : i32
        %parallel_loop3A_293 = arith.constant 0 : i32
        %parallel_loop3A_294 = arith.cmpi sgt, %parallel_loop3A_290, %parallel_loop3A_293 : i32
        %parallel_loop3A_295 = arith.extui %parallel_loop3A_294 : i1 to i32
        %parallel_loop3A_296 = arith.constant 0 : i32
        %parallel_loop3A_297 = arith.cmpi slt, %parallel_loop3A_290, %parallel_loop3A_296 : i32
        %parallel_loop3A_298 = arith.extui %parallel_loop3A_297 : i1 to i32
        %parallel_loop3A_299 = arith.subi %parallel_loop3A_295, %parallel_loop3A_298 : i32
        %parallel_loop3A_300 = arith.constant 0 : i32
        %parallel_loop3A_301 = arith.cmpi sgt, %parallel_loop3A_291, %parallel_loop3A_300 : i32
        %parallel_loop3A_302 = arith.extui %parallel_loop3A_301 : i1 to i32
        %parallel_loop3A_303 = arith.constant 0 : i32
        %parallel_loop3A_304 = arith.cmpi slt, %parallel_loop3A_291, %parallel_loop3A_303 : i32
        %parallel_loop3A_305 = arith.extui %parallel_loop3A_304 : i1 to i32
        %parallel_loop3A_306 = arith.subi %parallel_loop3A_302, %parallel_loop3A_305 : i32
        %parallel_loop3A_307 = arith.cmpi ne, %parallel_loop3A_299, %parallel_loop3A_306 : i32
        %parallel_loop3A_308 = arith.remsi %parallel_loop3A_290, %parallel_loop3A_291 : i32
        %parallel_loop3A_309 = arith.constant 0 : i32
        %parallel_loop3A_310 = arith.cmpi ne, %parallel_loop3A_308, %parallel_loop3A_309 : i32
        %parallel_loop3A_311 = arith.andi %parallel_loop3A_307, %parallel_loop3A_310 : i1
        %parallel_loop3A_312 = arith.constant 1 : i32
        %parallel_loop3A_313 = arith.subi %parallel_loop3A_292, %parallel_loop3A_312 : i32
        %parallel_loop3A_314 = arith.select %parallel_loop3A_311, %parallel_loop3A_313, %parallel_loop3A_292 : i32
        %parallel_loop3A_315 = arith.constant 2 : i32
        %parallel_loop3A_316 = arith.constant 0 : i32
        %parallel_loop3A_317 = arith.cmpi eq, %parallel_loop3A_315, %parallel_loop3A_316 : i32
        %parallel_loop3A_318 = arith.constant 1 : i32
        %parallel_loop3A_319 = arith.select %parallel_loop3A_317, %parallel_loop3A_318, %parallel_loop3A_315 : i32
        %parallel_loop3A_320 = arith.remsi %parallel_loop3A_290, %parallel_loop3A_319 : i32
        %parallel_loop3A_321 = arith.constant 0 : i32
        %parallel_loop3A_322 = arith.cmpi ne, %parallel_loop3A_320, %parallel_loop3A_321 : i32
        %parallel_loop3A_323 = arith.constant 0 : i32
        %parallel_loop3A_324 = arith.cmpi slt, %parallel_loop3A_320, %parallel_loop3A_323 : i32
        %parallel_loop3A_325 = arith.constant 0 : i32
        %parallel_loop3A_326 = arith.cmpi slt, %parallel_loop3A_319, %parallel_loop3A_325 : i32
        %parallel_loop3A_327 = arith.xori %parallel_loop3A_324, %parallel_loop3A_326 : i1
        %parallel_loop3A_328 = arith.andi %parallel_loop3A_327, %parallel_loop3A_322 : i1
        %parallel_loop3A_329 = arith.addi %parallel_loop3A_320, %parallel_loop3A_319 : i32
        %parallel_loop3A_330 = arith.select %parallel_loop3A_328, %parallel_loop3A_329, %parallel_loop3A_320 : i32
        %parallel_loop3A_331 = arith.constant 64 : i32
        %parallel_loop3A_332 = arith.muli %parallel_loop3A_331, %parallel_loop3A_330 : i32
        %parallel_loop3A_333 = arith.index_cast %parallel_loop3A_290 : i32 to index
        %parallel_loop3A_334 = arith.constant 0 : index
        %parallel_loop3A_335 = tpu.vector_load %arg9[%parallel_loop3A_333, %parallel_loop3A_334] {strides = array<i32>} : memref<200x64xf32, #tpu.memory_space<vmem>>, vector<16xf32>,
        %parallel_loop3A_336 = arith.constant 8.000000e+00 : f32
        %parallel_loop3A_337 = vector.broadcast %parallel_loop3A_336 : f32 to vector<16xf32>
        %parallel_loop3A_338 = arith.mulf %parallel_loop3A_335, %parallel_loop3A_337 : vector<16xf32>
        %parallel_loop3A_339 = arith.constant 0 : i32
        %parallel_loop3A_340 = arith.addi %parallel_loop3A_332, %parallel_loop3A_339 : i32
        %parallel_loop3A_341 = arith.index_cast %parallel_loop3A_314 : i32 to index
        %parallel_loop3A_342 = arith.index_cast %parallel_loop3A_340 : i32 to index
        %parallel_loop3A_343 = tpu.vector_load %arg13[%parallel_loop3A_341, %parallel_loop3A_342] {strides = array<i32>} : memref<100x128xf32, #tpu.memory_space<vmem>>, vector<16xf32>,
        tpu.vector_store %arg13[%parallel_loop3A_341, %parallel_loop3A_342], %parallel_loop3A_338 {strides = array<i32>} : memref<100x128xf32, #tpu.memory_space<vmem>>, vector<16xf32>,
        %parallel_loop3A_344 = arith.index_cast %parallel_loop3A_290 : i32 to index
        %parallel_loop3A_345 = arith.constant 16 : index
        %parallel_loop3A_346 = tpu.vector_load %arg9[%parallel_loop3A_344, %parallel_loop3A_345] {strides = array<i32>} : memref<200x64xf32, #tpu.memory_space<vmem>>, vector<16xf32>,
        %parallel_loop3A_347 = arith.constant 8.000000e+00 : f32
        %parallel_loop3A_348 = vector.broadcast %parallel_loop3A_347 : f32 to vector<16xf32>
        %parallel_loop3A_349 = arith.mulf %parallel_loop3A_346, %parallel_loop3A_348 : vector<16xf32>
        %parallel_loop3A_350 = arith.constant 16 : i32
        %parallel_loop3A_351 = arith.addi %parallel_loop3A_332, %parallel_loop3A_350 : i32
        %parallel_loop3A_352 = arith.index_cast %parallel_loop3A_314 : i32 to index
        %parallel_loop3A_353 = arith.index_cast %parallel_loop3A_351 : i32 to index
        %parallel_loop3A_354 = tpu.vector_load %arg13[%parallel_loop3A_352, %parallel_loop3A_353] {strides = array<i32>} : memref<100x128xf32, #tpu.memory_space<vmem>>, vector<16xf32>,
        tpu.vector_store %arg13[%parallel_loop3A_352, %parallel_loop3A_353], %parallel_loop3A_349 {strides = array<i32>} : memref<100x128xf32, #tpu.memory_space<vmem>>, vector<16xf32>,
        %parallel_loop3A_355 = arith.index_cast %parallel_loop3A_290 : i32 to index
        %parallel_loop3A_356 = arith.constant 32 : index
        %parallel_loop3A_357 = tpu.vector_load %arg9[%parallel_loop3A_355, %parallel_loop3A_356] {strides = array<i32>} : memref<200x64xf32, #tpu.memory_space<vmem>>, vector<16xf32>,
        %parallel_loop3A_358 = arith.constant 8.000000e+00 : f32
        %parallel_loop3A_359 = vector.broadcast %parallel_loop3A_358 : f32 to vector<16xf32>
        %parallel_loop3A_360 = arith.mulf %parallel_loop3A_357, %parallel_loop3A_359 : vector<16xf32>
        %parallel_loop3A_361 = arith.constant 32 : i32
        %parallel_loop3A_362 = arith.addi %parallel_loop3A_332, %parallel_loop3A_361 : i32
        %parallel_loop3A_363 = arith.index_cast %parallel_loop3A_314 : i32 to index
        %parallel_loop3A_364 = arith.index_cast %parallel_loop3A_362 : i32 to index
        %parallel_loop3A_365 = tpu.vector_load %arg13[%parallel_loop3A_363, %parallel_loop3A_364] {strides = array<i32>} : memref<100x128xf32, #tpu.memory_space<vmem>>, vector<16xf32>,
        tpu.vector_store %arg13[%parallel_loop3A_363, %parallel_loop3A_364], %parallel_loop3A_360 {strides = array<i32>} : memref<100x128xf32, #tpu.memory_space<vmem>>, vector<16xf32>,
        %parallel_loop3A_366 = arith.index_cast %parallel_loop3A_290 : i32 to index
        %parallel_loop3A_367 = arith.constant 48 : index
        %parallel_loop3A_368 = tpu.vector_load %arg9[%parallel_loop3A_366, %parallel_loop3A_367] {strides = array<i32>} : memref<200x64xf32, #tpu.memory_space<vmem>>, vector<16xf32>,
        %parallel_loop3A_369 = arith.constant 8.000000e+00 : f32
        %parallel_loop3A_370 = vector.broadcast %parallel_loop3A_369 : f32 to vector<16xf32>
        %parallel_loop3A_371 = arith.mulf %parallel_loop3A_368, %parallel_loop3A_370 : vector<16xf32>
        %parallel_loop3A_372 = arith.constant 48 : i32
        %parallel_loop3A_373 = arith.addi %parallel_loop3A_332, %parallel_loop3A_372 : i32
        %parallel_loop3A_374 = arith.index_cast %parallel_loop3A_314 : i32 to index
        %parallel_loop3A_375 = arith.index_cast %parallel_loop3A_373 : i32 to index
        %parallel_loop3A_376 = tpu.vector_load %arg13[%parallel_loop3A_374, %parallel_loop3A_375] {strides = array<i32>} : memref<100x128xf32, #tpu.memory_space<vmem>>, vector<16xf32>,
        tpu.vector_store %arg13[%parallel_loop3A_374, %parallel_loop3A_375], %parallel_loop3A_371 {strides = array<i32>} : memref<100x128xf32, #tpu.memory_space<vmem>>, vector<16xf32>,
      } {sc.loop_unroll_factor = 4 : i64, sc.parallel_access}
      %add3A_276 = arith.constant 4 : i32
      %add3A_277 = arith.addi %add3A_249, %add3A_276 : i32
      %lt3A_278 = arith.constant 128 : i32
      %lt3A_279 = arith.cmpi slt, %add3A_277, %lt3A_278 : i32
      %convert_element_type3A_280 = arith.extui %lt3A_279 : i1 to i32
      %cond3A_281 = arith.constant 0 : i32
      %cond3A_282 = arith.cmpi ne, %convert_element_type3A_280, %cond3A_281 : i32
      scf.if %cond3A_282 {
        %add3A_290 = arith.constant 4 : i32
        %add3A_291 = arith.addi %add3A_249, %add3A_290 : i32
        %dma_start3A_292 = arith.constant 0 : i32
        %dma_start3A_293 = arith.constant 0 : i32
        %dma_start3A_294 = tpu.memref_slice %arg9[%dma_start3A_292, %dma_start3A_293] : memref<200x64xf32, #tpu.memory_space<vmem>> -> memref<128x64xf32, #tpu.memory_space<vmem>>
        %dma_start3A_295 = arith.constant 0 : i32
        %dma_start3A_296 = tpu.memref_slice %arg5[%add3A_291, %dma_start3A_295] : memref<128x200xi32, #tpu.memory_space<vmem>> -> memref<1x128xi32, #tpu.memory_space<vmem>>
        %dma_start3A_297 = tpu.memref_squeeze %dma_start3A_296 : memref<1x128xi32, #tpu.memory_space<vmem>> -> memref<128xi32, #tpu.memory_space<vmem>>
        %dma_start3A_298 = arith.constant 0 : i32
        %dma_start3A_299 = arith.constant 0 : i32
        %dma_start3A_300 = tpu.memref_slice %arg3[%dma_start3A_298, %dma_start3A_299] : memref<1000000x64xf32, #tpu.memory_space<hbm>> -> memref<1000000x64xf32, #tpu.memory_space<hbm>>
        tpu.enqueue_indirect_dma source(%dma_start3A_300 : memref<1000000x64xf32, #tpu.memory_space<hbm>>) target(%dma_start3A_294 : memref<128x64xf32, #tpu.memory_space<vmem>>) offsets(%dma_start3A_297 : memref<128xi32, #tpu.memory_space<vmem>>) semaphore(%arg17 : memref<!tpu.dma_semaphore, #tpu.memory_space<semaphore_mem>>)
        %dma_start3A_301 = arith.constant 128 : i32
        %dma_start3A_302 = arith.constant 0 : i32
        %dma_start3A_303 = tpu.memref_slice %arg9[%dma_start3A_301, %dma_start3A_302] : memref<200x64xf32, #tpu.memory_space<vmem>> -> memref<72x64xf32, #tpu.memory_space<vmem>>
        %dma_start3A_304 = arith.constant 128 : i32
        %dma_start3A_305 = tpu.memref_slice %arg5[%add3A_291, %dma_start3A_304] : memref<128x200xi32, #tpu.memory_space<vmem>> -> memref<1x72xi32, #tpu.memory_space<vmem>>
        %dma_start3A_306 = tpu.memref_squeeze %dma_start3A_305 : memref<1x72xi32, #tpu.memory_space<vmem>> -> memref<72xi32, #tpu.memory_space<vmem>>
        %dma_start3A_307 = arith.constant 0 : i32
        %dma_start3A_308 = arith.constant 0 : i32
        %dma_start3A_309 = tpu.memref_slice %arg3[%dma_start3A_307, %dma_start3A_308] : memref<1000000x64xf32, #tpu.memory_space<hbm>> -> memref<1000000x64xf32, #tpu.memory_space<hbm>>
        tpu.enqueue_indirect_dma source(%dma_start3A_309 : memref<1000000x64xf32, #tpu.memory_space<hbm>>) target(%dma_start3A_303 : memref<72x64xf32, #tpu.memory_space<vmem>>) offsets(%dma_start3A_306 : memref<72xi32, #tpu.memory_space<vmem>>) semaphore(%arg17 : memref<!tpu.dma_semaphore, #tpu.memory_space<semaphore_mem>>)
      } else {
      }
      %add3A_283 = arith.addi %mul3A_2, %add3A_249 : i32
      %mul3A_284 = arith.constant 100 : i32
      %mul3A_285 = arith.muli %mul3A_284, %add3A_283 : i32
      %dma_start3A_286 = arith.constant 0 : i32
      %dma_start3A_287 = tpu.memref_slice %arg4[%mul3A_285, %dma_start3A_286] : memref<409600x128xf32, #tpu.memory_space<hbm>> -> memref<100x128xf32, #tpu.memory_space<hbm>>
      %dma_start3A_288 = arith.constant 0 : i32
      %dma_start3A_289 = tpu.memref_slice %arg4[%mul3A_285, %dma_start3A_288] : memref<409600x128xf32, #tpu.memory_space<hbm>> -> memref<100x128xf32, #tpu.memory_space<hbm>>
      tpu.enqueue_dma source(%arg13 : memref<100x128xf32, #tpu.memory_space<vmem>>) target(%dma_start3A_289 : memref<100x128xf32, #tpu.memory_space<hbm>>) target_semaphore(%arg21 : memref<!tpu.dma_semaphore, #tpu.memory_space<semaphore_mem>>)
    }
    %scan3A_86 = arith.constant 32 : i32
    %add3A_87 = arith.constant 124 : i32
    %add3A_88 = arith.addi %mul3A_2, %add3A_87 : i32
    %mul3A_89 = arith.constant 100 : i32
    %mul3A_90 = arith.muli %mul3A_89, %add3A_88 : i32
    %dma_wait3A = arith.constant 0 : i32
    %dma_wait3A_91 = tpu.memref_slice %arg4[%mul3A_90, %dma_wait3A] : memref<409600x128xf32, #tpu.memory_space<hbm>> -> memref<100x128xf32, #tpu.memory_space<hbm>>
    %dma_wait3A_92 = arith.constant 0 : i32
    %dma_wait3A_93 = tpu.memref_slice %arg4[%mul3A_90, %dma_wait3A_92] : memref<409600x128xf32, #tpu.memory_space<hbm>> -> memref<100x128xf32, #tpu.memory_space<hbm>>
    tpu.wait_dma2 semaphore(%arg18 : memref<!tpu.dma_semaphore, #tpu.memory_space<semaphore_mem>>) src(%arg10 : memref<100x128xf32, #tpu.memory_space<vmem>>) dst(%dma_wait3A_93 : memref<100x128xf32, #tpu.memory_space<hbm>>)
    %add3A_94 = arith.constant 125 : i32
    %add3A_95 = arith.addi %mul3A_2, %add3A_94 : i32
    %mul3A_96 = arith.constant 100 : i32
    %mul3A_97 = arith.muli %mul3A_96, %add3A_95 : i32
    %dma_wait3A_98 = arith.constant 0 : i32
    %dma_wait3A_99 = tpu.memref_slice %arg4[%mul3A_97, %dma_wait3A_98] : memref<409600x128xf32, #tpu.memory_space<hbm>> -> memref<100x128xf32, #tpu.memory_space<hbm>>
    %dma_wait3A_100 = arith.constant 0 : i32
    %dma_wait3A_101 = tpu.memref_slice %arg4[%mul3A_97, %dma_wait3A_100] : memref<409600x128xf32, #tpu.memory_space<hbm>> -> memref<100x128xf32, #tpu.memory_space<hbm>>
    tpu.wait_dma2 semaphore(%arg19 : memref<!tpu.dma_semaphore, #tpu.memory_space<semaphore_mem>>) src(%arg11 : memref<100x128xf32, #tpu.memory_space<vmem>>) dst(%dma_wait3A_101 : memref<100x128xf32, #tpu.memory_space<hbm>>)
    %add3A_102 = arith.constant 126 : i32
    %add3A_103 = arith.addi %mul3A_2, %add3A_102 : i32
    %mul3A_104 = arith.constant 100 : i32
    %mul3A_105 = arith.muli %mul3A_104, %add3A_103 : i32
    %dma_wait3A_106 = arith.constant 0 : i32
    %dma_wait3A_107 = tpu.memref_slice %arg4[%mul3A_105, %dma_wait3A_106] : memref<409600x128xf32, #tpu.memory_space<hbm>> -> memref<100x128xf32, #tpu.memory_space<hbm>>
    %dma_wait3A_108 = arith.constant 0 : i32
    %dma_wait3A_109 = tpu.memref_slice %arg4[%mul3A_105, %dma_wait3A_108] : memref<409600x128xf32, #tpu.memory_space<hbm>> -> memref<100x128xf32, #tpu.memory_space<hbm>>
    tpu.wait_dma2 semaphore(%arg20 : memref<!tpu.dma_semaphore, #tpu.memory_space<semaphore_mem>>) src(%arg12 : memref<100x128xf32, #tpu.memory_space<vmem>>) dst(%dma_wait3A_109 : memref<100x128xf32, #tpu.memory_space<hbm>>)
    %add3A_110 = arith.constant 127 : i32
    %add3A_111 = arith.addi %mul3A_2, %add3A_110 : i32
    %mul3A_112 = arith.constant 100 : i32
    %mul3A_113 = arith.muli %mul3A_112, %add3A_111 : i32
    %dma_wait3A_114 = arith.constant 0 : i32
    %dma_wait3A_115 = tpu.memref_slice %arg4[%mul3A_113, %dma_wait3A_114] : memref<409600x128xf32, #tpu.memory_space<hbm>> -> memref<100x128xf32, #tpu.memory_space<hbm>>
    %dma_wait3A_116 = arith.constant 0 : i32
    %dma_wait3A_117 = tpu.memref_slice %arg4[%mul3A_113, %dma_wait3A_116] : memref<409600x128xf32, #tpu.memory_space<hbm>> -> memref<100x128xf32, #tpu.memory_space<hbm>>
    tpu.wait_dma2 semaphore(%arg21 : memref<!tpu.dma_semaphore, #tpu.memory_space<semaphore_mem>>) src(%arg13 : memref<100x128xf32, #tpu.memory_space<vmem>>) dst(%dma_wait3A_117 : memref<100x128xf32, #tpu.memory_space<hbm>>)
    return
  }
}

</mosaic_0001>

<sc_bundles>
// kernel: _emb_call.3.cloned.1.call-start
scs
__scs_entry_jumppad:
0x0: {  	(pc) =	sbr.rel $0x88, $3  }
0x1: {  	(tag) =	ssettag $0x0;
	lr =	simm.s32 $0x1  }
0x2: {  	[smem:$0x3F9F] =	sst lr;
	_ =	strace $0xD0000000  }
0x3: {  	_ = 	snop  }
0x4: {  	_ = 	snop  }
0x5: {  	_ = 	snop  }
0x6: {  	_ = 	snop  }
0x7: {  	_ = 	snop  }
__scs_overlays_trampoline_lowered:
0x8: {  	[smem:$0x3FAE] =	sst s0  }
0x9: {  	[smem:$0x3FAF] =	sst s1  }
0xa: {  	[smem:$0x3FB0] =	sst s2  }
0xb: {  	[smem:$0x3FB1] =	sst s3  }
0xc: {  	[smem:$0x3FB2] =	sst s4  }
0xd: {  	[smem:$0x3FB3] =	sst s5  }
0xe: {  	[smem:$0x3FB4] =	sst s6  }
0xf: {  	[smem:$0x3FB5] =	sst s7  }
0x10: {  	[smem:$0x3FB6] =	sst s8  }
0x11: {  	[smem:$0x3FB7] =	sst s9;
	s0 =	simm.s32 @!p0 $0x0  }
0x12: {  	s1 =	sld [smem:$0x3F9D];
	s0 =	simm.s32 @p0 $0x1  }
0x13: {  	[smem:$0x3FB8] =	sst s0;
	s0 =	simm.s32 @!p1 $0x0  }
0x14: {  	s2 =	sld [smem:$0x3F9C];
	s0 =	simm.s32 @p1 $0x1  }
0x15: {  	[smem:$0x3FB9] =	sst s0;
	s0 =	simm.s32 @!p2 $0x0  }
0x16: {  	s3 =	sld [smem:$0x3FDB];
	s0 =	simm.s32 @p2 $0x1  }
0x17: {  	s4 =	simm.s32 $0x1BF5;
	[smem:$0x3FBB] =	sst s0  }
0x18: {  	s0 =	sld [smem:$0x3F9E];
	_ =	swait.ge [sflag:s4], $0x0  }
0x19: {  	s7 =	sld [smem:$0x3F9F]  }
0x1a: {  	s8 =	sadd.s32 $0xFFFFE003, lr  }
0x1b: {  	s9 =	sadd.s32 $0xFFFFFEF7, lr;
	s5 =	simm.s32 $0xFFFFFFFF;
	p2 =	slt.u32 s8, $0xFFFFF086  }
0x1c: {  	p1 =	slt.u32 s9, $0xF7A;
	s5 =	simm.s32 @!p2 $0x0  }
0x1d: {  	s5 =	simm.s32 @p1 $0x1;
	p0 =	seq.s32 s7, s2  }
0x1e: {  	s7 =	smul.u32 @!p0 $0xF7A, s2;
	p2 =	seq.s32 @!p0 s5, $0x0  }
0x1f: {  	s9 =	smul.u32 $0xF7A, s1;
	s8 =	simm.s32 @!p0 $0x1BF5;
	p2 =	por !p2, p0  }
0x20: {  	[sflag:s8] =	ssyncset.s32 @!p0 $0xFFFFF086;
	s6 =	sadd.s32 @!p0 s3, s7;
	s7 =	simm.s32 @!p0 $0x108  }
0x21: {  	s3 =	sadd.s32 s3, s9;
	s6 =	sadd.s32 @!p0 $0x88, s6;
	s7 =	simm.s32 @p2 $0x1082  }
0x22: {  	[simem:s7], [sflag:s8] =	dma.local @!p0 [hbm:s6], $0xF7A  }
0x23: {  	s9 =	sor.u32 $0xD0000000, s2;
	s6 =	simm.s32 $0x108;
	_ =	swait.ge @!p0 [sflag:s8], $0x0  }
0x24: {  	s3 =	sadd.s32 $0x88, s3;
	s6 =	simm.s32 @!p1 $0x1082;
	[sflag:s4] =	ssyncset.s32 $0xFFFFF086  }
0x25: {  	[simem:s6], [sflag:s4] =	dma.local [hbm:s3], $0xF7A  }
0x26: {  	[smem:$0x3F9F] =	sst s1;
	(tag) =	ssettag s2;
	_ =	strace s9  }
0x27: {  	s1 =	sld [smem:$0x3FAF]  }
0x28: {  	s2 =	sld [smem:$0x3FB0]  }
0x29: {  	s4 =	sld [smem:$0x3FB2]  }
0x2a: {  	p0 =	seq.s32 s5, $0x0;
	s5 =	sld [smem:$0x3FB3]  }
0x2b: {  	s6 =	sld [smem:$0x3FB4]  }
0x2c: {  	s7 =	sld [smem:$0x3FB5]  }
0x2d: {  	s3 =	simm.s32 $0x108;
	s8 =	sld [smem:$0x3FB6]  }
0x2e: {  	s3 =	simm.s32 @!p0 $0x1082;
	s9 =	sld [smem:$0x3FB7]  }
0x2f: {  	lr =	sadd.s32 s0, s3;
	s0 =	sld [smem:$0x3FAE]  }
0x30: {  	s3 =	sld [smem:$0x3FB1]  }
0x31: {  	[smem:$0x3FBA] =	sst s10  }
0x32: {  	s10 =	sld [smem:$0x3FB8];
	_ =	sdelay $0x3  }
0x33: {  	p0 =	seq.s32 s10, $0x1;
	s10 =	sld [smem:$0x3FBA];
	_ =	sdelay $0x3  }
0x34: {  	[smem:$0x3FBA] =	sst s10  }
0x35: {  	s10 =	sld [smem:$0x3FB9];
	_ =	sdelay $0x3  }
0x36: {  	p1 =	seq.s32 s10, $0x1;
	s10 =	sld [smem:$0x3FBA];
	_ =	sdelay $0x3  }
0x37: {  	[smem:$0x3FBA] =	sst s10  }
0x38: {  	s10 =	sld [smem:$0x3FBB]  }
0x39: {  	_ = 	snop;
	(pc) =	sbr.ind lr, $3  }
0x3a: {  	_ = 	snop  }
0x3b: {  	_ = 	snop  }
0x3c: {  	p2 =	seq.s32 s10, $0x1;
	s10 =	sld [smem:$0x3FBA]  }
0x3d: {  	_ =	shalt  }
0x3e: {  	_ =	shalt  }
0x3f: {  	_ =	shalt  }
0x40: {  	_ =	shalt  }
0x41: {  	_ =	shalt  }
0x42: {  	_ =	shalt  }
0x43: {  	_ =	shalt  }
0x44: {  	_ =	shalt  }
0x45: {  	_ =	shalt  }
0x46: {  	_ =	shalt  }
0x47: {  	_ =	shalt  }
0x48: {  	_ =	shalt  }
0x49: {  	_ =	shalt  }
0x4a: {  	_ =	shalt  }
0x4b: {  	_ =	shalt  }
0x4c: {  	_ =	shalt  }
0x4d: {  	_ =	shalt  }
0x4e: {  	_ =	shalt  }
0x4f: {  	_ =	shalt  }
0x50: {  	_ =	shalt  }
0x51: {  	_ =	shalt  }
0x52: {  	_ =	shalt  }
0x53: {  	_ =	shalt  }
0x54: {  	_ =	shalt  }
0x55: {  	_ =	shalt  }
0x56: {  	_ =	shalt  }
0x57: {  	_ =	shalt  }
0x58: {  	_ =	shalt  }
0x59: {  	_ =	shalt  }
0x5a: {  	_ =	shalt  }
0x5b: {  	_ =	shalt  }
0x5c: {  	_ =	shalt  }
0x5d: {  	_ =	shalt  }
0x5e: {  	_ =	shalt  }
0x5f: {  	_ =	shalt  }
0x60: {  	_ =	shalt  }
0x61: {  	_ =	shalt  }
0x62: {  	_ =	shalt  }
0x63: {  	_ =	shalt  }
0x64: {  	_ =	shalt  }
0x65: {  	_ =	shalt  }
0x66: {  	_ =	shalt  }
0x67: {  	_ =	shalt  }
0x68: {  	_ =	shalt  }
0x69: {  	_ =	shalt  }
0x6a: {  	_ =	shalt  }
0x6b: {  	_ =	shalt  }
0x6c: {  	_ =	shalt  }
0x6d: {  	_ =	shalt  }
0x6e: {  	_ =	shalt  }
0x6f: {  	_ =	shalt  }
0x70: {  	_ =	shalt  }
0x71: {  	_ =	shalt  }
0x72: {  	_ =	shalt  }
0x73: {  	_ =	shalt  }
0x74: {  	_ =	shalt  }
0x75: {  	_ =	shalt  }
0x76: {  	_ =	shalt  }
0x77: {  	_ =	shalt  }
0x78: {  	_ =	shalt  }
0x79: {  	_ =	shalt  }
0x7a: {  	_ =	shalt  }
0x7b: {  	_ =	shalt  }
0x7c: {  	_ =	shalt  }
0x7d: {  	_ =	shalt  }
0x7e: {  	_ =	shalt  }
0x7f: {  	_ =	shalt  }
0x80: {  	_ =	shalt  }
0x81: {  	_ =	shalt  }
0x82: {  	_ =	shalt  }
0x83: {  	_ =	shalt  }
0x84: {  	_ =	shalt  }
0x85: {  	_ =	shalt  }
0x86: {  	_ =	shalt  }
0x87: {  	_ =	shalt  }
.Lfunc_end0:
.L_simem_size_0:
called_computation_lowered:
.L_overlay_start_0:
0x88: {  	s2 =	sld [smem:$0x3FD9]  }
0x89: {  	s3 =	sld [smem:$0x3FFE];
	_ =	sdelay $0x1  }
0x8a: {  	s1 =	srdreg.scid  }
0x8b: {  	s0 =	sand.u32 $0x1, s1  }
0x8c: {  	s17 =	sshll.u32 s0, $0xA;
	s2 =	sadd.s32 s3, s2  }
0x8d: {  	s2 =	sadd.s32 s2, s17  }
0x8e: {  	[smem:$0x3FC6] =	sst s2  }
0x8f: {  	_ = 	snop  }
0x90: {  	s2 =	sld [smem:$0x3FD0];
	(tm) =	ssettm $0x1  }
0x91: {  	s18 =	sld [smem:$0x3FFB];
	_ =	sdelay $0x3  }
0x92: {  	_ =	strace s18  }
0x93: {  	s3 =	sld [smem:$0x3FFC];
	_ =	sdelay $0x3  }
0x94: {  	_ =	strace s3  }
0x95: {  	s3 =	sld [smem:$0x3FFD];
	_ =	sdelay $0x3  }
0x96: {  	_ =	strace s3  }
0x97: {  	_ =	strace $0x8FFFFFFF  }
0x98: {  	s19 =	sld [smem:$0x3FDB];
	_ =	sdelay $0x1  }
0x99: {  	s4 =	simm.s32 $_scs_section_size  }
0x9a: {  	s5 =	simm.s32 $_size__tile_overlayer_lowered;
	s6 =	simm.s32 $_tile_overlayer_lowered  }
0x9b: {  	s22 =	simm.s32 $0x1BFF;
	s21 =	sshll.u32 s6, $0x1;
	s3 =	sadd.s32 s4, s19  }
0x9c: {  	s7 =	simm.s32 $0x0;
	s20 =	sshll.u32 s5, $0x1;
	s5 =	sadd.s32 s21, s3  }
0x9d: {  	[timem:s7], [sflag:s22] =	dma.local [hbm:s5], s20  }
0x9e: {  	_ =	swait.ge [sflag:s22], s20  }
0x9f: {  	s4 =	ssub.s32 $0x0, s20;
	[sflag:s22] =	ssyncset.done $0x0  }
0xa0: {  	[sflag:s22] =	ssyncadd.s32 s4;
	_ =	sdelay $0x1  }
0xa1: {  	s23 =	simm.s32 $0x1B8B  }
0xa2: {  	_ =	swait.ge [sflag:s23], $0x1  }
0xa3: {  	[sflag:s23] =	ssyncset.done $0x0  }
0xa4: {  	s25 =	simm.s32 $0x1B8E;
	s24 =	sld [smem:$0x3FFE];
	[sflag:s23] =	ssyncadd.s32 $0xFFFFFFFF  }
0xa5: {  	s26 =	simm.s32 $execute0_lowered;
	[smem:$0x3FD2] =	sst s25  }
0xa6: {  	s5 =	sshll.u32 s26, $0x1;
	_ =	strace $0x80000046;
	[dreg:$0x1] =	wrdreg $0xFFFFFFFF  }
0xa7: {  	s28 =	simm.s32 $_size_execute0_lowered;
	s3 =	sadd.s32 s3, s5;
	[dreg:$0x0] =	wrdreg $0x0  }
0xa8: {  	s5 =	sshll.u32 s28, $0x1;
	[dreg:$0x2] =	wrdreg s3  }
0xa9: {  	[dreg:$0x3] =	wrdreg s5  }
0xaa: {  	[dreg:$0x4] =	wrdreg $0xC0  }
0xab: {  	_ =	task [dreg:s7], $0x5FFFF  }
0xac: {  	[dreg:$0x1] =	wrdreg $0xFFFFFFFF  }
0xad: {  	[dreg:$0x0] =	wrdreg $0x60  }
0xae: {  	[dreg:$0x2] =	wrdreg s24  }
0xaf: {  	[dreg:$0x3] =	wrdreg s2  }
0xb0: {  	[dreg:$0x4] =	wrdreg $0x9  }
0xb1: {  	_ =	task.clear_ibuf [dreg:s7], $0x5FFFF;
	_ =	strace $0x90000046  }
0xb2: {  	s29 =	simm.s32 $0x9;
	_ =	strace $0x80000048  }
0xb3: {  	_ =	swait.ge [sflag:s29], $0x1  }
0xb4: {  	[sflag:s29] =	ssyncadd.s32 $0xFFFFFFFF  }
0xb5: {  	_ =	strace $0x90000048  }
0xb6: {  	_ =	sfence  }
0xb7: {  	s30 =	sld [smem:$0x0];
	_ =	sdelay $0x2  }
0xb8: {  	s31 =	sshll.u32 s1, $0xD;
	s1 =	sshrl.u32 s1, $0x2  }
0xb9: {  	s3 =	sand.u32 $0x4000, s31;
	s1 =	sadd.s32 s1, s30  }
0xba: {  	s0 =	sor.u32 s3, s0;
	s1 =	sshll.u32 s1, $0x11  }
0xbb: {  	s0 =	sor.u32 s1, s0  }
0xbc: {  	s0 =	sadd.s32 $0x8F2B, s0  }
0xbd: {  	[sflag:s0] =	ssyncadd.remote.s32 $0x1  }
0xbe: {  	_ =	sfence.sel $0xFFFF  }
0xbf: {  	[dreg:$0x0] =	wrdreg $0xFFFFFFFF;
	(pc) =	sbr.abs _section_cstart, $3  }
0xc0: {  	[dreg:$0x1] =	wrdreg $0xFFFFFFFF  }
0xc1: {  	_ =	task.clear_ibuf [dreg:s7], $0x2FFFF;
	_ =	strace $0x9FFFFFFF  }
0xc2: {  	(tm) =	ssettm $0x7FFFFFFF  }
0xc3: {  	_ =	shalt  }
tec
execute0_lowered:
.L_overlay_start_1:
0x0: {  	(tag) =	ssettag $0x1  }
0x1: {  	s0 =	srdreg.scid  }
0x2: {  	s1 =	rddreg [dreg:$0x0];
	s3 =	stileid.u32  }
0x3: {  	s2 =	rddreg [dreg:$0x1];
	s8 =	simm.s32 $0x9;
	s9 =	simm.s32 $0x80  }
0x4: {  	s11 =	simm.s32 $0x48;
	s25 =	simm.s32 $0x1;
	s28 =	simm.s32 $0x2  }
0x5: {  	s29 =	simm.s32 $0x15E00;
	s30 =	simm.s32 $0x3;
	s31 =	simm.s32 $0x19000  }
0x6: {  	s10 =	simm.s32 $0x5;
	s12 =	simm.s32 $0x6;
	s0 =	sand.u32 $0x1, s0  }
0x7: {  	s13 =	simm.s32 $0x7;
	s3 =	sshll.u32 s3, $0x8;
	s4 =	sshll.u32 s0, $0x7  }
0x8: {  	s14 =	simm.s32 $0x8;
	s0 =	ssub.s32 $0x2, s0;
	s3 =	sor.u32 s4, s3  }
0x9: {  	s4 =	simm.s32 $0x0;
	s6 =	sshrl.u32 s0, $0x1;
	s5 =	smul.u32 $0x19, s3  }
0xa: {  	s15 =	simm.s32 $0x0;
	[smem:$0x7FF] =	sst s4;
	s0 =	ssub.s32 s0, s6  }
0xb: {  	_ =	strace $0x80000047;
	s7 =	sadd.s32 s5, s1;
	s5 =	sadd.s32 $0xF42A00, s1  }
0xc: {  	s1 =	simm.s32 $0x4;
	s26 =	sadd.s32 $0x600, s7;
	s7 =	smax.u32 s0, $0x1  }
0xd: {  	s0 =	simm.s32 $0x1C200;
	[dreg:$0x3] =	wrdreg s26;
	s26 =	simm.s32 $0x12C00  }
.LBB2_1:
0xe: {  	s6 =	rddreg [dreg:$0x3]  }
0xf: {  	[tilespmem:s4], [sflag:$0x9] =	stream.linear.gather [hbm4b:s6+s4], $0x6400, $0x38;
	[tilespmem:$0x1F400] =	vst v63  }
0x10: {  	_ =	swait.ge [sflag:s8], $0x6400  }
0x11: {  	[sflag:s8] =	ssyncset.done $0x0  }
0x12: {  	s20 =	simm.s32 $0x6400;
	[sflag:s8] =	ssyncadd.s32 $0xFFFF9C00  }
0x13: {  	[tilespmem:s20], [sflag:$0x1] =	stream.indirect.gather [hbm4b:s5+s9], $0x40, s4, s9, $0xb8;
	[tilespmem:$0x1F400] =	vst v63  }
0x14: {  	s21 =	simm.s32 $0x8400  }
0x15: {  	[tilespmem:s21], [sflag:$0x1] =	stream.indirect.gather [hbm4b:s5+s11], $0x40, s9, s11, $0xb8;
	[tilespmem:$0x1F400] =	vst v63  }
0x16: {  	s22 =	simm.s32 $0xC8;
	s16 =	simm.s32 $0x9600  }
0x17: {  	[tilespmem:s16], [sflag:$0x2] =	stream.indirect.gather [hbm4b:s5+s9], $0x40, s22, s9, $0xb8;
	[tilespmem:$0x1F400] =	vst v63  }
0x18: {  	s23 =	simm.s32 $0x148;
	s24 =	simm.s32 $0xB600  }
0x19: {  	[tilespmem:s24], [sflag:$0x2] =	stream.indirect.gather [hbm4b:s5+s11], $0x40, s23, s11, $0xb8;
	[tilespmem:$0x1F400] =	vst v63  }
0x1a: {  	s17 =	simm.s32 $0x190;
	s18 =	simm.s32 $0xC800  }
0x1b: {  	[tilespmem:s18], [sflag:$0x3] =	stream.indirect.gather [hbm4b:s5+s9], $0x40, s17, s9, $0xb8;
	[tilespmem:$0x1F400] =	vst v63  }
0x1c: {  	s19 =	simm.s32 $0x210;
	s20 =	simm.s32 $0xE800  }
0x1d: {  	[tilespmem:s20], [sflag:$0x3] =	stream.indirect.gather [hbm4b:s5+s11], $0x40, s19, s11, $0xb8;
	[tilespmem:$0x1F400] =	vst v63  }
0x1e: {  	s21 =	simm.s32 $0x258;
	s22 =	simm.s32 $0xFA00  }
0x1f: {  	[tilespmem:s22], [sflag:$0x4] =	stream.indirect.gather [hbm4b:s5+s9], $0x40, s21, s9, $0xb8;
	[tilespmem:$0x1F400] =	vst v63  }
0x20: {  	s16 =	simm.s32 $0x0;
	s23 =	simm.s32 $0x2D8;
	s24 =	simm.s32 $0x11A00  }
0x21: {  	[tilespmem:s24], [sflag:$0x4] =	stream.indirect.gather [hbm4b:s5+s11], $0x40, s23, s11, $0xb8;
	[tilespmem:$0x1F400] =	vst v63  }
.LBB2_2:
0x22: {  	_ =	swait.ge [sflag:s25], $0x2000  }
0x23: {  	[sflag:s25] =	ssyncset.done $0x0  }
0x24: {  	[sflag:s25] =	ssyncadd.s32 $0xFFFFE000  }
0x25: {  	_ =	swait.ge [sflag:s25], $0x1200  }
0x26: {  	p1 =	seq.s32 s16, $0x0;
	[sflag:s25] =	ssyncset.done $0x0  }
0x27: {  	s6 =	simm.s32 @!p1 $0x5;
	[sflag:s25] =	ssyncadd.s32 $0xFFFFEE00  }
0x28: {  	_ =	swait.ge @!p1 [sflag:s6], $0x3200  }
0x29: {  	[sflag:s6] =	ssyncset.done @!p1 $0x0  }
0x2a: {  	s23 =	simm.s32 $0x6480;
	[sflag:s6] =	ssyncadd.s32 @!p1 $0xFFFFCE00  }
0x2b: {  	v0 =	vld [tilespmem:s23+$0x40];
	_ =	sdelay $0x3  }
0x2c: {  	v1 =	vld [tilespmem:s23+$0xFFFFFF80]  }
0x2d: {  	v2 =	vld [tilespmem:s23+$0xFFFFFFC0];
	v0 =	vmul.f32 $8.000000000e+00, v0  }
0x2e: {  	s17 =	simm.s32 $0x12C80;
	v3 =	vld [tilespmem:s23+$0x0]  }
0x2f: {  	[tilespmem:s17+$0x40] =	vst v0  }
0x30: {  	v0 =	vld [tilespmem:s23+$0x50]  }
0x31: {  	v1 =	vmul.f32 $8.000000000e+00, v1  }
0x32: {  	v2 =	vmul.f32 $8.000000000e+00, v2  }
0x33: {  	v3 =	vmul.f32 $8.000000000e+00, v3;
	[tilespmem:s17+$0xFFFFFF80] =	vst v1  }
0x34: {  	[tilespmem:s17+$0xFFFFFFC0] =	vst v2;
	v1 =	vld [tilespmem:s23+$0xFFFFFF90]  }
0x35: {  	[tilespmem:s17+$0x0] =	vst v3;
	v2 =	vld [tilespmem:s23+$0xFFFFFFD0];
	v0 =	vmul.f32 $8.000000000e+00, v0  }
0x36: {  	s19 =	simm.s32 $0x6580;
	v3 =	vld [tilespmem:s23+$0x10]  }
0x37: {  	[tilespmem:s17+$0x50] =	vst v0;
	v0 =	vld [tilespmem:s19+$0x40]  }
0x38: {  	v4 =	vld [tilespmem:s23+$0x60]  }
0x39: {  	v5 =	vld [tilespmem:s19+$0xFFFFFFC0];
	v1 =	vmul.f32 $8.000000000e+00, v1  }
0x3a: {  	v6 =	vld [tilespmem:s19+$0x0];
	v2 =	vmul.f32 $8.000000000e+00, v2  }
0x3b: {  	v3 =	vmul.f32 $8.000000000e+00, v3;
	[tilespmem:s17+$0xFFFFFF90] =	vst v1;
	v1 =	vld [tilespmem:s19+$0xFFFFFF80]  }
0x3c: {  	[tilespmem:s17+$0xFFFFFFD0] =	vst v2;
	v2 =	vld [tilespmem:s23+$0xFFFFFFA0];
	v0 =	vmul.f32 $8.000000000e+00, v0  }
0x3d: {  	s20 =	simm.s32 $0x12D80;
	[tilespmem:s17+$0x10] =	vst v3;
	v7 =	vld [tilespmem:s23+$0xFFFFFFE0];
	v3 =	vmul.f32 $8.000000000e+00, v4  }
0x3e: {  	v4 =	vmul.f32 $8.000000000e+00, v5;
	[tilespmem:s20+$0x40] =	vst v0;
	v0 =	vld [tilespmem:s23+$0x20]  }
0x3f: {  	v5 =	vmul.f32 $8.000000000e+00, v6;
	v6 =	vld [tilespmem:s19+$0x50];
	[tilespmem:s17+$0x60] =	vst v3  }
0x40: {  	v1 =	vmul.f32 $8.000000000e+00, v1;
	[tilespmem:s20+$0xFFFFFFC0] =	vst v4;
	v8 =	vld [tilespmem:s23+$0x70]  }
0x41: {  	v2 =	vmul.f32 $8.000000000e+00, v2;
	[tilespmem:s20+$0x0] =	vst v5;
	v9 =	vld [tilespmem:s19+$0xFFFFFFD0]  }
0x42: {  	[tilespmem:s20+$0xFFFFFF80] =	vst v1;
	v5 =	vmul.f32 $8.000000000e+00, v7;
	v3 =	vld [tilespmem:s19+$0x10]  }
0x43: {  	v4 =	vld [tilespmem:s19+$0xFFFFFF90];
	[tilespmem:s17+$0xFFFFFFA0] =	vst v2;
	v2 =	vmul.f32 $8.000000000e+00, v0  }
0x44: {  	v1 =	vld [tilespmem:s23+$0xFFFFFFB0];
	[tilespmem:s17+$0xFFFFFFE0] =	vst v5;
	v7 =	vmul.f32 $8.000000000e+00, v6  }
0x45: {  	v0 =	vld [tilespmem:s23+$0xFFFFFFF0];
	[tilespmem:s17+$0x20] =	vst v2;
	v5 =	vmul.f32 $8.000000000e+00, v8  }
0x46: {  	s18 =	sshll.u32 s16, $0x2;
	s21 =	simm.s32 $0x4;
	s22 =	simm.s32 $0x6680;
	v6 =	vmul.f32 $8.000000000e+00, v9;
	[tilespmem:s20+$0x50] =	vst v7;
	v2 =	vld [tilespmem:s23+$0x30]  }
.LBB2_3:
0x47: {  	v7 =	vld [tilespmem:s22+$0x40];
	v3 =	vmul.f32 $8.000000000e+00, v3;
	[tilespmem:s17+$0x70] =	vst v5  }
0x48: {  	s21 =	sadd.s32 $0x4, s21;
	v4 =	vmul.f32 $8.000000000e+00, v4;
	[tilespmem:s20+$0xFFFFFFD0] =	vst v6;
	v5 =	vld [tilespmem:s19+$0x60]  }
0x49: {  	p0 =	slt.u32 s21, $0xC4;
	v6 =	vld [tilespmem:s22+$0xFFFFFFC0];
	[tilespmem:s20+$0x10] =	vst v3;
	v1 =	vmul.f32 $8.000000000e+00, v1  }
0x4a: {  	v3 =	vld [tilespmem:s22+$0x0];
	[tilespmem:s20+$0xFFFFFF90] =	vst v4;
	v0 =	vmul.f32 $8.000000000e+00, v0  }
0x4b: {  	v4 =	vld [tilespmem:s22+$0xFFFFFF80];
	[tilespmem:s17+$0xFFFFFFB0] =	vst v1;
	v1 =	vmul.f32 $8.000000000e+00, v2  }
0x4c: {  	v2 =	vmul.f32 $8.000000000e+00, v7;
	v7 =	vld [tilespmem:s19+$0xFFFFFFA0];
	[tilespmem:s17+$0xFFFFFFF0] =	vst v0  }
0x4d: {  	v0 =	vld [tilespmem:s19+$0xFFFFFFE0];
	v5 =	vmul.f32 $8.000000000e+00, v5;
	[tilespmem:s17+$0x30] =	vst v1;
	s17 =	smov.u32 s20;
	s20 =	sadd.s32 $0x100, s20  }
0x4e: {  	v1 =	vmul.f32 $8.000000000e+00, v6;
	[tilespmem:s20+$0x40] =	vst v2;
	v2 =	vld [tilespmem:s19+$0x20]  }
0x4f: {  	v3 =	vmul.f32 $8.000000000e+00, v3;
	v6 =	vld [tilespmem:s22+$0x50];
	[tilespmem:s17+$0x60] =	vst v5  }
0x50: {  	v4 =	vmul.f32 $8.000000000e+00, v4;
	[tilespmem:s20+$0xFFFFFFC0] =	vst v1;
	v5 =	vld [tilespmem:s19+$0x70]  }
0x51: {  	v8 =	vld [tilespmem:s22+$0xFFFFFFD0];
	[tilespmem:s20+$0x0] =	vst v3;
	v1 =	vmul.f32 $8.000000000e+00, v7  }
.Ltmp0:
0x52: {  	[tilespmem:s20+$0xFFFFFF80] =	vst v4;
	v3 =	vld [tilespmem:s22+$0x10];
	v0 =	vmul.f32 $8.000000000e+00, v0;
	(pc) =	sbr.rel @p0 .LBB2_3-.Ltmp0, $4  }
0x53: {  	v4 =	vld [tilespmem:s22+$0xFFFFFF90];
	[tilespmem:s17+$0xFFFFFFA0] =	vst v1;
	v2 =	vmul.f32 $8.000000000e+00, v2  }
0x54: {  	v7 =	vmul.f32 $8.000000000e+00, v6;
	v1 =	vld [tilespmem:s19+$0xFFFFFFB0];
	[tilespmem:s17+$0xFFFFFFE0] =	vst v0  }
0x55: {  	v0 =	vld [tilespmem:s19+$0xFFFFFFF0];
	[tilespmem:s17+$0x20] =	vst v2;
	v5 =	vmul.f32 $8.000000000e+00, v5  }
0x56: {  	v6 =	vmul.f32 $8.000000000e+00, v8;
	[tilespmem:s20+$0x50] =	vst v7;
	v2 =	vld [tilespmem:s19+$0x30];
	s19 =	smov.u32 s22;
	s22 =	sadd.s32 $0x100, s22  }
0x57: {  	_ = 	snop  }
0x58: {  	v4 =	vmul.f32 $8.000000000e+00, v4;
	_ =	sdelay $0x1  }
0x59: {  	v3 =	vmul.f32 $8.000000000e+00, v3;
	v7 =	vld [tilespmem:s19+$0x60];
	[tilespmem:s20+$0xFFFFFF90] =	vst v4  }
0x5a: {  	[tilespmem:s20+$0xFFFFFFD0] =	vst v6;
	v4 =	vld [tilespmem:s19+$0xFFFFFFA0]  }
0x5b: {  	[tilespmem:s20+$0x10] =	vst v3;
	v3 =	vld [tilespmem:s19+$0xFFFFFFE0]  }
0x5c: {  	v6 =	vld [tilespmem:s19+$0x20];
	_ =	sdelay $0x1  }
0x5d: {  	v7 =	vmul.f32 $8.000000000e+00, v7  }
0x5e: {  	v4 =	vmul.f32 $8.000000000e+00, v4  }
0x5f: {  	[tilespmem:s20+$0x60] =	vst v7;
	v3 =	vmul.f32 $8.000000000e+00, v3  }
0x60: {  	v7 =	vld [tilespmem:s19+$0x70];
	[tilespmem:s20+$0xFFFFFFA0] =	vst v4;
	v4 =	vmul.f32 $8.000000000e+00, v6  }
0x61: {  	[tilespmem:s20+$0xFFFFFFE0] =	vst v3;
	v6 =	vld [tilespmem:s19+$0xFFFFFFB0]  }
0x62: {  	v1 =	vmul.f32 $8.000000000e+00, v1;
	v3 =	vld [tilespmem:s19+$0xFFFFFFF0];
	[tilespmem:s20+$0x20] =	vst v4  }
0x63: {  	[tilespmem:s17+$0x70] =	vst v5;
	v0 =	vmul.f32 $8.000000000e+00, v0;
	v4 =	vld [tilespmem:s19+$0x30]  }
0x64: {  	[tilespmem:s17+$0xFFFFFFB0] =	vst v1;
	v1 =	vmul.f32 $8.000000000e+00, v2  }
0x65: {  	[tilespmem:s17+$0xFFFFFFF0] =	vst v0;
	v0 =	vmul.f32 $8.000000000e+00, v7  }
0x66: {  	p0 =	seq.s32 s16, $0x1F;
	[tilespmem:s17+$0x30] =	vst v1;
	v1 =	vmul.f32 $8.000000000e+00, v6  }
0x67: {  	s6 =	smul.u32 @!p0 $0xC80, s16;
	[tilespmem:s20+$0x70] =	vst v0;
	v0 =	vmul.f32 $8.000000000e+00, v3  }
0x68: {  	[tilespmem:s20+$0xFFFFFFB0] =	vst v1;
	v1 =	vmul.f32 $8.000000000e+00, v4  }
0x69: {  	s23 =	sadd.s32 s3, s18;
	s21 =	simm.s32 @!p0 $0x8400;
	s17 =	sshra.s32 @!p0 s6, $0x2;
	[tilespmem:s20+$0xFFFFFFF0] =	vst v0  }
0x6a: {  	s6 =	sadd.s32 @!p0 $0x320, s17;
	s19 =	simm.s32 @!p0 $0x80;
	[tilespmem:s20+$0x30] =	vst v1;
	s20 =	simm.s32 @!p0 $0x6400  }
0x6b: {  	[tilespmem:s20], [sflag:$0x1] =	stream.indirect.gather @!p0 [hbm4b:s5+s19], $0x40, s6, s19, $0xb8;
	[tilespmem:$0x1F400] =	vst v63  }
0x6c: {  	s6 =	sadd.s32 @!p0 $0x3A0, s17;
	s20 =	simm.s32 @!p0 $0x48;
	s19 =	smul.u32 $0x640, s23  }
0x6d: {  	[tilespmem:s21], [sflag:$0x1] =	stream.indirect.gather @!p0 [hbm4b:s5+s20], $0x40, s6, s20, $0xb8;
	[tilespmem:$0x1F400] =	vst v63  }
0x6e: {  	s24 =	sadd.s32 s2, s19  }
0x6f: {  	[hbm4b:s24+s4] =	stream.linear.scatter [tilespmem:s26], [sflag:$0x5], $0x3200, $0x38;
	[tilespmem:$0x1F400] =	vst v63  }
0x70: {  	_ =	swait.ge [sflag:s28], $0x2000  }
0x71: {  	[sflag:s28] =	ssyncset.done $0x0  }
0x72: {  	[sflag:s28] =	ssyncadd.s32 $0xFFFFE000  }
0x73: {  	_ =	swait.ge [sflag:s28], $0x1200  }
0x74: {  	[sflag:s28] =	ssyncset.done $0x0  }
0x75: {  	s6 =	simm.s32 @!p1 $0x6;
	[sflag:s28] =	ssyncadd.s32 $0xFFFFEE00  }
0x76: {  	_ =	swait.ge @!p1 [sflag:s6], $0x3200  }
0x77: {  	[sflag:s6] =	ssyncset.done @!p1 $0x0  }
0x78: {  	[sflag:s6] =	ssyncadd.s32 @!p1 $0xFFFFCE00;
	s6 =	simm.s32 $0x9680  }
0x79: {  	v0 =	vld [tilespmem:s6+$0x40];
	_ =	sdelay $0x3  }
0x7a: {  	v1 =	vld [tilespmem:s6+$0xFFFFFF80]  }
0x7b: {  	v2 =	vld [tilespmem:s6+$0xFFFFFFC0];
	v0 =	vmul.f32 $8.000000000e+00, v0  }
0x7c: {  	s19 =	simm.s32 $0x15E80;
	v3 =	vld [tilespmem:s6+$0x0]  }
0x7d: {  	[tilespmem:s19+$0x40] =	vst v0  }
0x7e: {  	v0 =	vld [tilespmem:s6+$0x50]  }
0x7f: {  	v1 =	vmul.f32 $8.000000000e+00, v1  }
0x80: {  	v2 =	vmul.f32 $8.000000000e+00, v2  }
0x81: {  	v3 =	vmul.f32 $8.000000000e+00, v3;
	[tilespmem:s19+$0xFFFFFF80] =	vst v1  }
0x82: {  	[tilespmem:s19+$0xFFFFFFC0] =	vst v2;
	v1 =	vld [tilespmem:s6+$0xFFFFFF90]  }
0x83: {  	[tilespmem:s19+$0x0] =	vst v3;
	v2 =	vld [tilespmem:s6+$0xFFFFFFD0];
	v0 =	vmul.f32 $8.000000000e+00, v0  }
0x84: {  	s20 =	simm.s32 $0x9780;
	v3 =	vld [tilespmem:s6+$0x10]  }
0x85: {  	[tilespmem:s19+$0x50] =	vst v0;
	v0 =	vld [tilespmem:s20+$0x40]  }
0x86: {  	v4 =	vld [tilespmem:s6+$0x60]  }
0x87: {  	v5 =	vld [tilespmem:s20+$0xFFFFFFC0];
	v1 =	vmul.f32 $8.000000000e+00, v1  }
0x88: {  	v6 =	vld [tilespmem:s20+$0x0];
	v2 =	vmul.f32 $8.000000000e+00, v2  }
0x89: {  	v3 =	vmul.f32 $8.000000000e+00, v3;
	[tilespmem:s19+$0xFFFFFF90] =	vst v1;
	v1 =	vld [tilespmem:s20+$0xFFFFFF80]  }
0x8a: {  	[tilespmem:s19+$0xFFFFFFD0] =	vst v2;
	v2 =	vld [tilespmem:s6+$0xFFFFFFA0];
	v0 =	vmul.f32 $8.000000000e+00, v0  }
0x8b: {  	s21 =	simm.s32 $0x15F80;
	[tilespmem:s19+$0x10] =	vst v3;
	v7 =	vld [tilespmem:s6+$0xFFFFFFE0];
	v3 =	vmul.f32 $8.000000000e+00, v4  }
0x8c: {  	v4 =	vmul.f32 $8.000000000e+00, v5;
	[tilespmem:s21+$0x40] =	vst v0;
	v0 =	vld [tilespmem:s6+$0x20]  }
0x8d: {  	v5 =	vmul.f32 $8.000000000e+00, v6;
	v6 =	vld [tilespmem:s20+$0x50];
	[tilespmem:s19+$0x60] =	vst v3  }
0x8e: {  	v1 =	vmul.f32 $8.000000000e+00, v1;
	[tilespmem:s21+$0xFFFFFFC0] =	vst v4;
	v8 =	vld [tilespmem:s6+$0x70]  }
0x8f: {  	v2 =	vmul.f32 $8.000000000e+00, v2;
	[tilespmem:s21+$0x0] =	vst v5;
	v9 =	vld [tilespmem:s20+$0xFFFFFFD0]  }
0x90: {  	[tilespmem:s21+$0xFFFFFF80] =	vst v1;
	v5 =	vmul.f32 $8.000000000e+00, v7;
	v3 =	vld [tilespmem:s20+$0x10]  }
0x91: {  	v4 =	vld [tilespmem:s20+$0xFFFFFF90];
	[tilespmem:s19+$0xFFFFFFA0] =	vst v2;
	v2 =	vmul.f32 $8.000000000e+00, v0  }
0x92: {  	v1 =	vld [tilespmem:s6+$0xFFFFFFB0];
	[tilespmem:s19+$0xFFFFFFE0] =	vst v5;
	v7 =	vmul.f32 $8.000000000e+00, v6  }
0x93: {  	v0 =	vld [tilespmem:s6+$0xFFFFFFF0];
	[tilespmem:s19+$0x20] =	vst v2;
	v5 =	vmul.f32 $8.000000000e+00, v8  }
0x94: {  	s22 =	sor.u32 $0x1, s18;
	s23 =	simm.s32 $0x4;
	s24 =	simm.s32 $0x9880;
	v6 =	vmul.f32 $8.000000000e+00, v9;
	[tilespmem:s21+$0x50] =	vst v7;
	v2 =	vld [tilespmem:s6+$0x30]  }
.LBB2_5:
0x95: {  	v7 =	vld [tilespmem:s24+$0x40];
	v3 =	vmul.f32 $8.000000000e+00, v3;
	[tilespmem:s19+$0x70] =	vst v5  }
0x96: {  	s23 =	sadd.s32 $0x4, s23;
	v4 =	vmul.f32 $8.000000000e+00, v4;
	[tilespmem:s21+$0xFFFFFFD0] =	vst v6;
	v5 =	vld [tilespmem:s20+$0x60]  }
0x97: {  	p2 =	slt.u32 s23, $0xC4;
	v6 =	vld [tilespmem:s24+$0xFFFFFFC0];
	[tilespmem:s21+$0x10] =	vst v3;
	v1 =	vmul.f32 $8.000000000e+00, v1  }
0x98: {  	v3 =	vld [tilespmem:s24+$0x0];
	[tilespmem:s21+$0xFFFFFF90] =	vst v4;
	v0 =	vmul.f32 $8.000000000e+00, v0  }
0x99: {  	v4 =	vld [tilespmem:s24+$0xFFFFFF80];
	[tilespmem:s19+$0xFFFFFFB0] =	vst v1;
	v1 =	vmul.f32 $8.000000000e+00, v2  }
0x9a: {  	v2 =	vmul.f32 $8.000000000e+00, v7;
	v7 =	vld [tilespmem:s20+$0xFFFFFFA0];
	[tilespmem:s19+$0xFFFFFFF0] =	vst v0  }
0x9b: {  	v0 =	vld [tilespmem:s20+$0xFFFFFFE0];
	v5 =	vmul.f32 $8.000000000e+00, v5;
	[tilespmem:s19+$0x30] =	vst v1;
	s19 =	smov.u32 s21;
	s21 =	sadd.s32 $0x100, s21  }
0x9c: {  	v1 =	vmul.f32 $8.000000000e+00, v6;
	[tilespmem:s21+$0x40] =	vst v2;
	v2 =	vld [tilespmem:s20+$0x20]  }
0x9d: {  	v3 =	vmul.f32 $8.000000000e+00, v3;
	v6 =	vld [tilespmem:s24+$0x50];
	[tilespmem:s19+$0x60] =	vst v5  }
0x9e: {  	v4 =	vmul.f32 $8.000000000e+00, v4;
	[tilespmem:s21+$0xFFFFFFC0] =	vst v1;
	v5 =	vld [tilespmem:s20+$0x70]  }
0x9f: {  	v8 =	vld [tilespmem:s24+$0xFFFFFFD0];
	[tilespmem:s21+$0x0] =	vst v3;
	v1 =	vmul.f32 $8.000000000e+00, v7  }
.Ltmp1:
0xa0: {  	[tilespmem:s21+$0xFFFFFF80] =	vst v4;
	v3 =	vld [tilespmem:s24+$0x10];
	v0 =	vmul.f32 $8.000000000e+00, v0;
	(pc) =	sbr.rel @p2 .LBB2_5-.Ltmp1, $4  }
0xa1: {  	v4 =	vld [tilespmem:s24+$0xFFFFFF90];
	[tilespmem:s19+$0xFFFFFFA0] =	vst v1;
	v2 =	vmul.f32 $8.000000000e+00, v2  }
0xa2: {  	v7 =	vmul.f32 $8.000000000e+00, v6;
	v1 =	vld [tilespmem:s20+$0xFFFFFFB0];
	[tilespmem:s19+$0xFFFFFFE0] =	vst v0  }
0xa3: {  	v0 =	vld [tilespmem:s20+$0xFFFFFFF0];
	[tilespmem:s19+$0x20] =	vst v2;
	v5 =	vmul.f32 $8.000000000e+00, v5  }
0xa4: {  	v6 =	vmul.f32 $8.000000000e+00, v8;
	[tilespmem:s21+$0x50] =	vst v7;
	v2 =	vld [tilespmem:s20+$0x30];
	s20 =	smov.u32 s24;
	s24 =	sadd.s32 $0x100, s24  }
0xa5: {  	_ = 	snop  }
0xa6: {  	v4 =	vmul.f32 $8.000000000e+00, v4;
	_ =	sdelay $0x1  }
0xa7: {  	v3 =	vmul.f32 $8.000000000e+00, v3;
	v7 =	vld [tilespmem:s20+$0x60];
	[tilespmem:s21+$0xFFFFFF90] =	vst v4  }
0xa8: {  	[tilespmem:s21+$0xFFFFFFD0] =	vst v6;
	v4 =	vld [tilespmem:s20+$0xFFFFFFA0]  }
0xa9: {  	[tilespmem:s21+$0x10] =	vst v3;
	v3 =	vld [tilespmem:s20+$0xFFFFFFE0]  }
0xaa: {  	v6 =	vld [tilespmem:s20+$0x20];
	_ =	sdelay $0x1  }
0xab: {  	v7 =	vmul.f32 $8.000000000e+00, v7  }
0xac: {  	v4 =	vmul.f32 $8.000000000e+00, v4  }
0xad: {  	[tilespmem:s21+$0x60] =	vst v7;
	v3 =	vmul.f32 $8.000000000e+00, v3  }
0xae: {  	v7 =	vld [tilespmem:s20+$0x70];
	[tilespmem:s21+$0xFFFFFFA0] =	vst v4;
	v4 =	vmul.f32 $8.000000000e+00, v6  }
0xaf: {  	[tilespmem:s21+$0xFFFFFFE0] =	vst v3;
	v6 =	vld [tilespmem:s20+$0xFFFFFFB0]  }
0xb0: {  	v1 =	vmul.f32 $8.000000000e+00, v1;
	v3 =	vld [tilespmem:s20+$0xFFFFFFF0];
	[tilespmem:s21+$0x20] =	vst v4  }
0xb1: {  	[tilespmem:s19+$0x70] =	vst v5;
	v0 =	vmul.f32 $8.000000000e+00, v0;
	v4 =	vld [tilespmem:s20+$0x30]  }
0xb2: {  	[tilespmem:s19+$0xFFFFFFB0] =	vst v1;
	v1 =	vmul.f32 $8.000000000e+00, v2  }
0xb3: {  	[tilespmem:s19+$0xFFFFFFF0] =	vst v0;
	v0 =	vmul.f32 $8.000000000e+00, v7  }
0xb4: {  	[tilespmem:s19+$0x30] =	vst v1;
	v1 =	vmul.f32 $8.000000000e+00, v6  }
0xb5: {  	[tilespmem:s21+$0x70] =	vst v0;
	v0 =	vmul.f32 $8.000000000e+00, v3  }
0xb6: {  	[tilespmem:s21+$0xFFFFFFB0] =	vst v1;
	v1 =	vmul.f32 $8.000000000e+00, v4  }
0xb7: {  	s6 =	sadd.s32 @!p0 $0x3E8, s17;
	s23 =	sadd.s32 s3, s22;
	[tilespmem:s21+$0xFFFFFFF0] =	vst v0  }
0xb8: {  	s19 =	simm.s32 @!p0 $0x80;
	s20 =	simm.s32 @!p0 $0x9600;
	[tilespmem:s21+$0x30] =	vst v1;
	s21 =	simm.s32 @!p0 $0xB600  }
0xb9: {  	[tilespmem:s20], [sflag:$0x2] =	stream.indirect.gather @!p0 [hbm4b:s5+s19], $0x40, s6, s19, $0xb8;
	[tilespmem:$0x1F400] =	vst v63  }
0xba: {  	s6 =	sadd.s32 @!p0 $0x468, s17;
	s20 =	simm.s32 @!p0 $0x48;
	s19 =	smul.u32 $0x640, s23  }
0xbb: {  	[tilespmem:s21], [sflag:$0x2] =	stream.indirect.gather @!p0 [hbm4b:s5+s20], $0x40, s6, s20, $0xb8;
	[tilespmem:$0x1F400] =	vst v63  }
0xbc: {  	s24 =	sadd.s32 s2, s19  }
0xbd: {  	[hbm4b:s24+s4] =	stream.linear.scatter [tilespmem:s29], [sflag:$0x6], $0x3200, $0x38;
	[tilespmem:$0x1F400] =	vst v63  }
0xbe: {  	_ =	swait.ge [sflag:s30], $0x2000  }
0xbf: {  	[sflag:s30] =	ssyncset.done $0x0  }
0xc0: {  	[sflag:s30] =	ssyncadd.s32 $0xFFFFE000  }
0xc1: {  	_ =	swait.ge [sflag:s30], $0x1200  }
0xc2: {  	[sflag:s30] =	ssyncset.done $0x0  }
0xc3: {  	s6 =	simm.s32 @!p1 $0x7;
	[sflag:s30] =	ssyncadd.s32 $0xFFFFEE00  }
0xc4: {  	_ =	swait.ge @!p1 [sflag:s6], $0x3200  }
0xc5: {  	[sflag:s6] =	ssyncset.done @!p1 $0x0  }
0xc6: {  	[sflag:s6] =	ssyncadd.s32 @!p1 $0xFFFFCE00;
	s6 =	simm.s32 $0xC880  }
0xc7: {  	v0 =	vld [tilespmem:s6+$0x40];
	_ =	sdelay $0x3  }
0xc8: {  	v1 =	vld [tilespmem:s6+$0xFFFFFF80]  }
0xc9: {  	v2 =	vld [tilespmem:s6+$0xFFFFFFC0];
	v0 =	vmul.f32 $8.000000000e+00, v0  }
0xca: {  	s19 =	simm.s32 $0x19080;
	v3 =	vld [tilespmem:s6+$0x0]  }
0xcb: {  	[tilespmem:s19+$0x40] =	vst v0  }
0xcc: {  	v0 =	vld [tilespmem:s6+$0x50]  }
0xcd: {  	v1 =	vmul.f32 $8.000000000e+00, v1  }
0xce: {  	v2 =	vmul.f32 $8.000000000e+00, v2  }
0xcf: {  	v3 =	vmul.f32 $8.000000000e+00, v3;
	[tilespmem:s19+$0xFFFFFF80] =	vst v1  }
0xd0: {  	[tilespmem:s19+$0xFFFFFFC0] =	vst v2;
	v1 =	vld [tilespmem:s6+$0xFFFFFF90]  }
0xd1: {  	[tilespmem:s19+$0x0] =	vst v3;
	v2 =	vld [tilespmem:s6+$0xFFFFFFD0];
	v0 =	vmul.f32 $8.000000000e+00, v0  }
0xd2: {  	s20 =	simm.s32 $0xC980;
	v3 =	vld [tilespmem:s6+$0x10]  }
0xd3: {  	[tilespmem:s19+$0x50] =	vst v0;
	v0 =	vld [tilespmem:s20+$0x40]  }
0xd4: {  	v4 =	vld [tilespmem:s6+$0x60]  }
0xd5: {  	v5 =	vld [tilespmem:s20+$0xFFFFFFC0];
	v1 =	vmul.f32 $8.000000000e+00, v1  }
0xd6: {  	v6 =	vld [tilespmem:s20+$0x0];
	v2 =	vmul.f32 $8.000000000e+00, v2  }
0xd7: {  	v3 =	vmul.f32 $8.000000000e+00, v3;
	[tilespmem:s19+$0xFFFFFF90] =	vst v1;
	v1 =	vld [tilespmem:s20+$0xFFFFFF80]  }
0xd8: {  	[tilespmem:s19+$0xFFFFFFD0] =	vst v2;
	v2 =	vld [tilespmem:s6+$0xFFFFFFA0];
	v0 =	vmul.f32 $8.000000000e+00, v0  }
0xd9: {  	s21 =	simm.s32 $0x19180;
	[tilespmem:s19+$0x10] =	vst v3;
	v7 =	vld [tilespmem:s6+$0xFFFFFFE0];
	v3 =	vmul.f32 $8.000000000e+00, v4  }
0xda: {  	v4 =	vmul.f32 $8.000000000e+00, v5;
	[tilespmem:s21+$0x40] =	vst v0;
	v0 =	vld [tilespmem:s6+$0x20]  }
0xdb: {  	v5 =	vmul.f32 $8.000000000e+00, v6;
	v6 =	vld [tilespmem:s20+$0x50];
	[tilespmem:s19+$0x60] =	vst v3  }
0xdc: {  	v1 =	vmul.f32 $8.000000000e+00, v1;
	[tilespmem:s21+$0xFFFFFFC0] =	vst v4;
	v8 =	vld [tilespmem:s6+$0x70]  }
0xdd: {  	v2 =	vmul.f32 $8.000000000e+00, v2;
	[tilespmem:s21+$0x0] =	vst v5;
	v9 =	vld [tilespmem:s20+$0xFFFFFFD0]  }
0xde: {  	[tilespmem:s21+$0xFFFFFF80] =	vst v1;
	v5 =	vmul.f32 $8.000000000e+00, v7;
	v3 =	vld [tilespmem:s20+$0x10]  }
0xdf: {  	v4 =	vld [tilespmem:s20+$0xFFFFFF90];
	[tilespmem:s19+$0xFFFFFFA0] =	vst v2;
	v2 =	vmul.f32 $8.000000000e+00, v0  }
0xe0: {  	v1 =	vld [tilespmem:s6+$0xFFFFFFB0];
	[tilespmem:s19+$0xFFFFFFE0] =	vst v5;
	v7 =	vmul.f32 $8.000000000e+00, v6  }
0xe1: {  	v0 =	vld [tilespmem:s6+$0xFFFFFFF0];
	[tilespmem:s19+$0x20] =	vst v2;
	v5 =	vmul.f32 $8.000000000e+00, v8  }
0xe2: {  	s22 =	sor.u32 $0x2, s18;
	s23 =	simm.s32 $0x4;
	s24 =	simm.s32 $0xCA80;
	v6 =	vmul.f32 $8.000000000e+00, v9;
	[tilespmem:s21+$0x50] =	vst v7;
	v2 =	vld [tilespmem:s6+$0x30]  }
.LBB2_7:
0xe3: {  	v7 =	vld [tilespmem:s24+$0x40];
	v3 =	vmul.f32 $8.000000000e+00, v3;
	[tilespmem:s19+$0x70] =	vst v5  }
0xe4: {  	s23 =	sadd.s32 $0x4, s23;
	v4 =	vmul.f32 $8.000000000e+00, v4;
	[tilespmem:s21+$0xFFFFFFD0] =	vst v6;
	v5 =	vld [tilespmem:s20+$0x60]  }
0xe5: {  	p2 =	slt.u32 s23, $0xC4;
	v6 =	vld [tilespmem:s24+$0xFFFFFFC0];
	[tilespmem:s21+$0x10] =	vst v3;
	v1 =	vmul.f32 $8.000000000e+00, v1  }
0xe6: {  	v3 =	vld [tilespmem:s24+$0x0];
	[tilespmem:s21+$0xFFFFFF90] =	vst v4;
	v0 =	vmul.f32 $8.000000000e+00, v0  }
0xe7: {  	v4 =	vld [tilespmem:s24+$0xFFFFFF80];
	[tilespmem:s19+$0xFFFFFFB0] =	vst v1;
	v1 =	vmul.f32 $8.000000000e+00, v2  }
0xe8: {  	v2 =	vmul.f32 $8.000000000e+00, v7;
	v7 =	vld [tilespmem:s20+$0xFFFFFFA0];
	[tilespmem:s19+$0xFFFFFFF0] =	vst v0  }
0xe9: {  	v0 =	vld [tilespmem:s20+$0xFFFFFFE0];
	v5 =	vmul.f32 $8.000000000e+00, v5;
	[tilespmem:s19+$0x30] =	vst v1;
	s19 =	smov.u32 s21;
	s21 =	sadd.s32 $0x100, s21  }
0xea: {  	v1 =	vmul.f32 $8.000000000e+00, v6;
	[tilespmem:s21+$0x40] =	vst v2;
	v2 =	vld [tilespmem:s20+$0x20]  }
0xeb: {  	v3 =	vmul.f32 $8.000000000e+00, v3;
	v6 =	vld [tilespmem:s24+$0x50];
	[tilespmem:s19+$0x60] =	vst v5  }
0xec: {  	v4 =	vmul.f32 $8.000000000e+00, v4;
	[tilespmem:s21+$0xFFFFFFC0] =	vst v1;
	v5 =	vld [tilespmem:s20+$0x70]  }
0xed: {  	v8 =	vld [tilespmem:s24+$0xFFFFFFD0];
	[tilespmem:s21+$0x0] =	vst v3;
	v1 =	vmul.f32 $8.000000000e+00, v7  }
.Ltmp2:
0xee: {  	[tilespmem:s21+$0xFFFFFF80] =	vst v4;
	v3 =	vld [tilespmem:s24+$0x10];
	v0 =	vmul.f32 $8.000000000e+00, v0;
	(pc) =	sbr.rel @p2 .LBB2_7-.Ltmp2, $4  }
0xef: {  	v4 =	vld [tilespmem:s24+$0xFFFFFF90];
	[tilespmem:s19+$0xFFFFFFA0] =	vst v1;
	v2 =	vmul.f32 $8.000000000e+00, v2  }
0xf0: {  	v7 =	vmul.f32 $8.000000000e+00, v6;
	v1 =	vld [tilespmem:s20+$0xFFFFFFB0];
	[tilespmem:s19+$0xFFFFFFE0] =	vst v0  }
0xf1: {  	v0 =	vld [tilespmem:s20+$0xFFFFFFF0];
	[tilespmem:s19+$0x20] =	vst v2;
	v5 =	vmul.f32 $8.000000000e+00, v5  }
0xf2: {  	v6 =	vmul.f32 $8.000000000e+00, v8;
	[tilespmem:s21+$0x50] =	vst v7;
	v2 =	vld [tilespmem:s20+$0x30];
	s20 =	smov.u32 s24;
	s24 =	sadd.s32 $0x100, s24  }
0xf3: {  	_ = 	snop  }
0xf4: {  	v4 =	vmul.f32 $8.000000000e+00, v4;
	_ =	sdelay $0x1  }
0xf5: {  	v3 =	vmul.f32 $8.000000000e+00, v3;
	v7 =	vld [tilespmem:s20+$0x60];
	[tilespmem:s21+$0xFFFFFF90] =	vst v4  }
0xf6: {  	[tilespmem:s21+$0xFFFFFFD0] =	vst v6;
	v4 =	vld [tilespmem:s20+$0xFFFFFFA0]  }
0xf7: {  	[tilespmem:s21+$0x10] =	vst v3;
	v3 =	vld [tilespmem:s20+$0xFFFFFFE0]  }
0xf8: {  	v6 =	vld [tilespmem:s20+$0x20];
	_ =	sdelay $0x1  }
0xf9: {  	v7 =	vmul.f32 $8.000000000e+00, v7  }
0xfa: {  	v4 =	vmul.f32 $8.000000000e+00, v4  }
0xfb: {  	[tilespmem:s21+$0x60] =	vst v7;
	v3 =	vmul.f32 $8.000000000e+00, v3  }
0xfc: {  	v7 =	vld [tilespmem:s20+$0x70];
	[tilespmem:s21+$0xFFFFFFA0] =	vst v4;
	v4 =	vmul.f32 $8.000000000e+00, v6  }
0xfd: {  	[tilespmem:s21+$0xFFFFFFE0] =	vst v3;
	v6 =	vld [tilespmem:s20+$0xFFFFFFB0]  }
0xfe: {  	v1 =	vmul.f32 $8.000000000e+00, v1;
	v3 =	vld [tilespmem:s20+$0xFFFFFFF0];
	[tilespmem:s21+$0x20] =	vst v4  }
0xff: {  	[tilespmem:s19+$0x70] =	vst v5;
	v0 =	vmul.f32 $8.000000000e+00, v0;
	v4 =	vld [tilespmem:s20+$0x30]  }
0x100: {  	[tilespmem:s19+$0xFFFFFFB0] =	vst v1;
	v1 =	vmul.f32 $8.000000000e+00, v2  }
0x101: {  	[tilespmem:s19+$0xFFFFFFF0] =	vst v0;
	v0 =	vmul.f32 $8.000000000e+00, v7  }
0x102: {  	[tilespmem:s19+$0x30] =	vst v1;
	v1 =	vmul.f32 $8.000000000e+00, v6  }
0x103: {  	[tilespmem:s21+$0x70] =	vst v0;
	v0 =	vmul.f32 $8.000000000e+00, v3  }
0x104: {  	[tilespmem:s21+$0xFFFFFFB0] =	vst v1;
	v1 =	vmul.f32 $8.000000000e+00, v4  }
0x105: {  	s6 =	sadd.s32 @!p0 $0x4B0, s17;
	s22 =	sadd.s32 s3, s22;
	[tilespmem:s21+$0xFFFFFFF0] =	vst v0  }
0x106: {  	s19 =	simm.s32 @!p0 $0x80;
	s20 =	simm.s32 @!p0 $0xC800;
	[tilespmem:s21+$0x30] =	vst v1;
	s21 =	simm.s32 @!p0 $0xE800  }
0x107: {  	[tilespmem:s20], [sflag:$0x3] =	stream.indirect.gather @!p0 [hbm4b:s5+s19], $0x40, s6, s19, $0xb8;
	[tilespmem:$0x1F400] =	vst v63  }
0x108: {  	s6 =	sadd.s32 @!p0 $0x530, s17;
	s20 =	simm.s32 @!p0 $0x48;
	s19 =	smul.u32 $0x640, s22  }
0x109: {  	[tilespmem:s21], [sflag:$0x3] =	stream.indirect.gather @!p0 [hbm4b:s5+s20], $0x40, s6, s20, $0xb8;
	[tilespmem:$0x1F400] =	vst v63  }
0x10a: {  	s23 =	sadd.s32 s2, s19  }
0x10b: {  	[hbm4b:s23+s4] =	stream.linear.scatter [tilespmem:s31], [sflag:$0x7], $0x3200, $0x38;
	[tilespmem:$0x1F400] =	vst v63  }
0x10c: {  	_ =	swait.ge [sflag:s1], $0x2000  }
0x10d: {  	[sflag:s1] =	ssyncset.done $0x0  }
0x10e: {  	[sflag:s1] =	ssyncadd.s32 $0xFFFFE000  }
0x10f: {  	_ =	swait.ge [sflag:s1], $0x1200  }
0x110: {  	[sflag:s1] =	ssyncset.done $0x0  }
0x111: {  	s6 =	simm.s32 @!p1 $0x8;
	[sflag:s1] =	ssyncadd.s32 $0xFFFFEE00  }
0x112: {  	_ =	swait.ge @!p1 [sflag:s6], $0x3200  }
0x113: {  	[sflag:s6] =	ssyncset.done @!p1 $0x0  }
0x114: {  	s24 =	simm.s32 $0xFA80;
	[sflag:s6] =	ssyncadd.s32 @!p1 $0xFFFFCE00  }
0x115: {  	v0 =	vld [tilespmem:s24+$0x40];
	_ =	sdelay $0x3  }
0x116: {  	v1 =	vld [tilespmem:s24+$0xFFFFFF80]  }
0x117: {  	v2 =	vld [tilespmem:s24+$0xFFFFFFC0];
	v0 =	vmul.f32 $8.000000000e+00, v0  }
0x118: {  	s19 =	simm.s32 $0x1C280;
	v3 =	vld [tilespmem:s24+$0x0]  }
0x119: {  	[tilespmem:s19+$0x40] =	vst v0  }
0x11a: {  	v0 =	vld [tilespmem:s24+$0x50]  }
0x11b: {  	v1 =	vmul.f32 $8.000000000e+00, v1  }
0x11c: {  	v2 =	vmul.f32 $8.000000000e+00, v2  }
0x11d: {  	v3 =	vmul.f32 $8.000000000e+00, v3;
	[tilespmem:s19+$0xFFFFFF80] =	vst v1  }
0x11e: {  	[tilespmem:s19+$0xFFFFFFC0] =	vst v2;
	v1 =	vld [tilespmem:s24+$0xFFFFFF90]  }
0x11f: {  	[tilespmem:s19+$0x0] =	vst v3;
	v2 =	vld [tilespmem:s24+$0xFFFFFFD0];
	v0 =	vmul.f32 $8.000000000e+00, v0  }
0x120: {  	s20 =	simm.s32 $0xFB80;
	v3 =	vld [tilespmem:s24+$0x10]  }
0x121: {  	[tilespmem:s19+$0x50] =	vst v0;
	v0 =	vld [tilespmem:s20+$0x40]  }
0x122: {  	v4 =	vld [tilespmem:s24+$0x60]  }
0x123: {  	v5 =	vld [tilespmem:s20+$0xFFFFFFC0];
	v1 =	vmul.f32 $8.000000000e+00, v1  }
0x124: {  	v6 =	vld [tilespmem:s20+$0x0];
	v2 =	vmul.f32 $8.000000000e+00, v2  }
0x125: {  	v3 =	vmul.f32 $8.000000000e+00, v3;
	[tilespmem:s19+$0xFFFFFF90] =	vst v1;
	v1 =	vld [tilespmem:s20+$0xFFFFFF80]  }
0x126: {  	[tilespmem:s19+$0xFFFFFFD0] =	vst v2;
	v2 =	vld [tilespmem:s24+$0xFFFFFFA0];
	v0 =	vmul.f32 $8.000000000e+00, v0  }
0x127: {  	s21 =	simm.s32 $0x1C380;
	[tilespmem:s19+$0x10] =	vst v3;
	v7 =	vld [tilespmem:s24+$0xFFFFFFE0];
	v3 =	vmul.f32 $8.000000000e+00, v4  }
0x128: {  	v4 =	vmul.f32 $8.000000000e+00, v5;
	[tilespmem:s21+$0x40] =	vst v0;
	v0 =	vld [tilespmem:s24+$0x20]  }
0x129: {  	v5 =	vmul.f32 $8.000000000e+00, v6;
	v6 =	vld [tilespmem:s20+$0x50];
	[tilespmem:s19+$0x60] =	vst v3  }
0x12a: {  	v1 =	vmul.f32 $8.000000000e+00, v1;
	[tilespmem:s21+$0xFFFFFFC0] =	vst v4;
	v8 =	vld [tilespmem:s24+$0x70]  }
0x12b: {  	v2 =	vmul.f32 $8.000000000e+00, v2;
	[tilespmem:s21+$0x0] =	vst v5;
	v9 =	vld [tilespmem:s20+$0xFFFFFFD0]  }
0x12c: {  	[tilespmem:s21+$0xFFFFFF80] =	vst v1;
	v5 =	vmul.f32 $8.000000000e+00, v7;
	v3 =	vld [tilespmem:s20+$0x10]  }
0x12d: {  	v4 =	vld [tilespmem:s20+$0xFFFFFF90];
	[tilespmem:s19+$0xFFFFFFA0] =	vst v2;
	v2 =	vmul.f32 $8.000000000e+00, v0  }
0x12e: {  	v1 =	vld [tilespmem:s24+$0xFFFFFFB0];
	[tilespmem:s19+$0xFFFFFFE0] =	vst v5;
	v7 =	vmul.f32 $8.000000000e+00, v6  }
0x12f: {  	v0 =	vld [tilespmem:s24+$0xFFFFFFF0];
	[tilespmem:s19+$0x20] =	vst v2;
	v5 =	vmul.f32 $8.000000000e+00, v8  }
0x130: {  	s18 =	sor.u32 $0x3, s18;
	s22 =	simm.s32 $0x4;
	s23 =	simm.s32 $0xFC80;
	v6 =	vmul.f32 $8.000000000e+00, v9;
	[tilespmem:s21+$0x50] =	vst v7;
	v2 =	vld [tilespmem:s24+$0x30]  }
.LBB2_9:
0x131: {  	v7 =	vld [tilespmem:s23+$0x40];
	v3 =	vmul.f32 $8.000000000e+00, v3;
	[tilespmem:s19+$0x70] =	vst v5  }
0x132: {  	s22 =	sadd.s32 $0x4, s22;
	v4 =	vmul.f32 $8.000000000e+00, v4;
	[tilespmem:s21+$0xFFFFFFD0] =	vst v6;
	v5 =	vld [tilespmem:s20+$0x60]  }
0x133: {  	p1 =	slt.u32 s22, $0xC4;
	v6 =	vld [tilespmem:s23+$0xFFFFFFC0];
	[tilespmem:s21+$0x10] =	vst v3;
	v1 =	vmul.f32 $8.000000000e+00, v1  }
0x134: {  	v3 =	vld [tilespmem:s23+$0x0];
	[tilespmem:s21+$0xFFFFFF90] =	vst v4;
	v0 =	vmul.f32 $8.000000000e+00, v0  }
0x135: {  	v4 =	vld [tilespmem:s23+$0xFFFFFF80];
	[tilespmem:s19+$0xFFFFFFB0] =	vst v1;
	v1 =	vmul.f32 $8.000000000e+00, v2  }
0x136: {  	v2 =	vmul.f32 $8.000000000e+00, v7;
	v7 =	vld [tilespmem:s20+$0xFFFFFFA0];
	[tilespmem:s19+$0xFFFFFFF0] =	vst v0  }
0x137: {  	v0 =	vld [tilespmem:s20+$0xFFFFFFE0];
	v5 =	vmul.f32 $8.000000000e+00, v5;
	[tilespmem:s19+$0x30] =	vst v1;
	s19 =	smov.u32 s21;
	s21 =	sadd.s32 $0x100, s21  }
0x138: {  	v1 =	vmul.f32 $8.000000000e+00, v6;
	[tilespmem:s21+$0x40] =	vst v2;
	v2 =	vld [tilespmem:s20+$0x20]  }
0x139: {  	v3 =	vmul.f32 $8.000000000e+00, v3;
	v6 =	vld [tilespmem:s23+$0x50];
	[tilespmem:s19+$0x60] =	vst v5  }
0x13a: {  	v4 =	vmul.f32 $8.000000000e+00, v4;
	[tilespmem:s21+$0xFFFFFFC0] =	vst v1;
	v5 =	vld [tilespmem:s20+$0x70]  }
0x13b: {  	v8 =	vld [tilespmem:s23+$0xFFFFFFD0];
	[tilespmem:s21+$0x0] =	vst v3;
	v1 =	vmul.f32 $8.000000000e+00, v7  }
.Ltmp3:
0x13c: {  	[tilespmem:s21+$0xFFFFFF80] =	vst v4;
	v3 =	vld [tilespmem:s23+$0x10];
	v0 =	vmul.f32 $8.000000000e+00, v0;
	(pc) =	sbr.rel @p1 .LBB2_9-.Ltmp3, $4  }
0x13d: {  	v4 =	vld [tilespmem:s23+$0xFFFFFF90];
	[tilespmem:s19+$0xFFFFFFA0] =	vst v1;
	v2 =	vmul.f32 $8.000000000e+00, v2  }
0x13e: {  	v7 =	vmul.f32 $8.000000000e+00, v6;
	v1 =	vld [tilespmem:s20+$0xFFFFFFB0];
	[tilespmem:s19+$0xFFFFFFE0] =	vst v0  }
0x13f: {  	v0 =	vld [tilespmem:s20+$0xFFFFFFF0];
	[tilespmem:s19+$0x20] =	vst v2;
	v5 =	vmul.f32 $8.000000000e+00, v5  }
0x140: {  	v6 =	vmul.f32 $8.000000000e+00, v8;
	[tilespmem:s21+$0x50] =	vst v7;
	v2 =	vld [tilespmem:s20+$0x30];
	s20 =	smov.u32 s23;
	s23 =	sadd.s32 $0x100, s23  }
0x141: {  	v3 =	vmul.f32 $8.000000000e+00, v3  }
0x142: {  	v7 =	vld [tilespmem:s20+$0x60];
	v4 =	vmul.f32 $8.000000000e+00, v4;
	[tilespmem:s21+$0xFFFFFFD0] =	vst v6  }
0x143: {  	[tilespmem:s21+$0x10] =	vst v3;
	v53 =	vld [tilespmem:s20+$0xFFFFFFE0]  }
0x144: {  	[tilespmem:s21+$0xFFFFFF90] =	vst v4;
	v54 =	vld [tilespmem:s20+$0x20]  }
0x145: {  	v4 =	vld [tilespmem:s20+$0xFFFFFFA0];
	_ =	sdelay $0x1  }
0x146: {  	v7 =	vmul.f32 $8.000000000e+00, v7  }
0x147: {  	v3 =	vmul.f32 $8.000000000e+00, v53  }
0x148: {  	[tilespmem:s21+$0x60] =	vst v7;
	v6 =	vmul.f32 $8.000000000e+00, v54  }
0x149: {  	v55 =	vld [tilespmem:s20+$0x70];
	v4 =	vmul.f32 $8.000000000e+00, v4;
	[tilespmem:s21+$0xFFFFFFE0] =	vst v3  }
0x14a: {  	[tilespmem:s21+$0x20] =	vst v6;
	v57 =	vld [tilespmem:s20+$0xFFFFFFF0]  }
0x14b: {  	v1 =	vmul.f32 $8.000000000e+00, v1;
	[tilespmem:s21+$0xFFFFFFA0] =	vst v4;
	v58 =	vld [tilespmem:s20+$0x30]  }
0x14c: {  	[tilespmem:s19+$0x70] =	vst v5;
	v0 =	vmul.f32 $8.000000000e+00, v0;
	v56 =	vld [tilespmem:s20+$0xFFFFFFB0]  }
0x14d: {  	[tilespmem:s19+$0xFFFFFFB0] =	vst v1;
	v59 =	vmul.f32 $8.000000000e+00, v2  }
0x14e: {  	[tilespmem:s19+$0xFFFFFFF0] =	vst v0;
	v60 =	vmul.f32 $8.000000000e+00, v55  }
0x14f: {  	[tilespmem:s19+$0x30] =	vst v59;
	v62 =	vmul.f32 $8.000000000e+00, v57  }
0x150: {  	[tilespmem:s21+$0x70] =	vst v60;
	v63 =	vmul.f32 $8.000000000e+00, v58  }
0x151: {  	v61 =	vmul.f32 $8.000000000e+00, v56;
	[tilespmem:s21+$0xFFFFFFF0] =	vst v62  }
0x152: {  	s6 =	sadd.s32 @!p0 $0x578, s17;
	s23 =	sadd.s32 s3, s18;
	[tilespmem:s21+$0x30] =	vst v63  }
0x153: {  	s18 =	simm.s32 @!p0 $0x48;
	s19 =	simm.s32 @!p0 $0x80;
	s20 =	simm.s32 @!p0 $0xFA00;
	[tilespmem:s21+$0xFFFFFFB0] =	vst v61  }
0x154: {  	[tilespmem:s20], [sflag:$0x4] =	stream.indirect.gather @!p0 [hbm4b:s5+s19], $0x40, s6, s19, $0xb8;
	[tilespmem:$0x1F400] =	vst v63  }
0x155: {  	s16 =	sadd.s32 $0x1, s16;
	s6 =	sadd.s32 @!p0 $0x5F8, s17;
	s19 =	simm.s32 @!p0 $0x11A00  }
0x156: {  	[tilespmem:s19], [sflag:$0x4] =	stream.indirect.gather @!p0 [hbm4b:s5+s18], $0x40, s6, s18, $0xb8;
	[tilespmem:$0x1F400] =	vst v63  }
0x157: {  	p0 =	sne.s32 s16, $0x20  }
.Ltmp4:
0x158: {  	_ = 	snop;
	(pc) =	sbr.rel @p0 .LBB2_2-.Ltmp4, $3  }
0x159: {  	s17 =	smul.u32 $0x640, s23;
	_ =	sdelay $0x1  }
0x15a: {  	s24 =	sadd.s32 s2, s17  }
0x15b: {  	[hbm4b:s24+s4] =	stream.linear.scatter [tilespmem:s0], [sflag:$0x8], $0x3200, $0x38;
	[tilespmem:$0x1F400] =	vst v63  }
0x15c: {  	_ =	swait.ge [sflag:s10], $0x3200  }
0x15d: {  	[sflag:s10] =	ssyncset.done $0x0  }
0x15e: {  	[sflag:s10] =	ssyncadd.s32 $0xFFFFCE00  }
0x15f: {  	_ =	swait.ge [sflag:s12], $0x3200  }
0x160: {  	[sflag:s12] =	ssyncset.done $0x0  }
0x161: {  	s15 =	sadd.s32 $0x1, s15;
	[sflag:s12] =	ssyncadd.s32 $0xFFFFCE00  }
0x162: {  	p0 =	sne.s32 s15, s7;
	_ =	swait.ge [sflag:s13], $0x3200  }
.Ltmp5:
0x163: {  	[sflag:s13] =	ssyncset.done $0x0;
	(pc) =	sbr.rel @p0 .LBB2_1-.Ltmp5, $4  }
0x164: {  	[sflag:s13] =	ssyncadd.s32 $0xFFFFCE00  }
0x165: {  	_ =	swait.ge [sflag:s14], $0x3200  }
0x166: {  	[sflag:s14] =	ssyncset.done $0x0  }
0x167: {  	[sflag:s14] =	ssyncadd.s32 $0xFFFFCE00  }
0x168: {  	_ =	sfence.sel $0x180000  }
0x169: {  	[bflag:$0x0] =	sbarrier.arrive $0xFFFF  }
0x16a: {  	_ =	strace $0x90000047  }
0x16b: {  	s0 =	stileid.u32;
	[bflag:$0x2] =	sbarrier.arrive $0xFFFF  }
0x16c: {  	p0 =	sne.s32 s0, $0x0;
	s0 =	rddreg [dreg:$0x2]  }
0x16d: {  	s0 =	sadd.s32 @!p0 $0x100000, s0  }
0x16e: {  	[sflag:s0] =	ssyncadd.tile.s32 @!p0 $0x1;
	_ =	shalt  }
.Lfunc_end2:
_tile_overlayer_lowered:
.L_overlay_start_2:
0x16f: {  	(tag) =	ssettag $0x2  }
0x170: {  	s0 =	rddreg [dreg:$0x0];
	s2 =	stileid.u32  }
0x171: {  	s1 =	rddreg [dreg:$0x1];
	p0 =	sne.s32 s2, $0x0  }
0x172: {  	s3 =	rddreg [dreg:$0x2];
	[bflag:$0x3] =	sbarrier.arrive $0xFFFF;
	s2 =	simm.s32 @!p0 $0x1C09  }
0x173: {  	[timem:s3], [sflag:s2] =	dma.local @!p0 [hbm:s0], s1  }
0x174: {  	s0 =	simm.s32 @!p0 $0x9  }
0x175: {  	_ =	swait.ge @!p0 [sflag:s0], s1  }
0x176: {  	s1 =	ssub.s32 @!p0 $0x0, s1;
	[sflag:s0] =	ssyncset.done @!p0 $0x0  }
0x177: {  	[sflag:s0] =	ssyncadd.s32 @!p0 s1  }
0x178: {  	[bflag:$0x3] =	sbarrier.arrive $0xFFFF  }
0x179: {  	_ =	shalt  }

</sc_bundles>
